<compile_context>
chip_gen: v7x
topology: tpu7x:2x2x1
jax: 0.10.2.dev20260603
libtpu: 0.0.44.dev20260713+nightly
codegen_flags: <defaults>
</compile_context>

<pallas_src>
import functools

import jax
import jax.numpy as jnp
from jax import lax
from jax.experimental import pallas as pl
from jax.experimental.pallas import tpu as pltpu
from jax.experimental.pallas import tpu_sc as plsc

NV = 50000
NF = 100000
E = 6 * NF

NC, NS, L = 2, 16, 16
NW = NC * NS
CHUNK = 128
NCH = 148
EPW = NCH * CHUNK
EP = NW * EPW

VROWS = 50048
ROWW = 8
RPT = VROWS // NS


NBUF = 4


def _sc_scatter(verts_hbm, src_hbm, dst_hbm, zeros_hbm, acc_out,
                acc_sh, *rest):
    src_c = rest[0:NBUF]
    dst_c = rest[NBUF:2 * NBUF]
    rows_v = rest[2 * NBUF:3 * NBUF]
    sem_s = rest[3 * NBUF:4 * NBUF]
    sem_d = rest[4 * NBUF:5 * NBUF]
    sem_g = rest[5 * NBUF:6 * NBUF]

    c = lax.axis_index("c")
    s = lax.axis_index("s")
    wid = c * NS + s

    def start_idx(j, b):
        pltpu.async_copy(src_hbm.at[wid, j], src_c[b], sem_s[b])
        pltpu.async_copy(dst_hbm.at[wid, j], dst_c[b], sem_d[b])

    def wait_idx(j, b):
        pltpu.make_async_copy(src_hbm.at[wid, j], src_c[b], sem_s[b]).wait()
        pltpu.make_async_copy(dst_hbm.at[wid, j], dst_c[b], sem_d[b]).wait()

    pltpu.sync_copy(zeros_hbm.at[pl.ds(s * RPT, RPT)],
                    acc_sh.at[pl.ds(s * RPT, RPT)])

    for k in range(NBUF - 1):
        start_idx(k, k)
    plsc.subcore_barrier()

    wait_idx(0, 0)
    pltpu.async_copy(verts_hbm.at[dst_c[0]], rows_v[0], sem_g[0])

    @pl.loop(0, NCH, step=NBUF)
    def _(j):
        for b in range(NBUF):
            jj = j + b
            b1 = (b + 1) % NBUF
            b3 = (b + NBUF - 1) % NBUF

            @pl.when(jj + 1 < NCH)
            def _():
                wait_idx(jj + 1, b1)
                pltpu.async_copy(verts_hbm.at[dst_c[b1]], rows_v[b1],
                                 sem_g[b1])

            @pl.when(jj + NBUF - 1 < NCH)
            def _():
                start_idx(jj + NBUF - 1, b3)

            @pl.when(jj < NCH)
            def _():
                pltpu.make_async_copy(verts_hbm.at[dst_c[b]], rows_v[b],
                                      sem_g[b]).wait()
                pltpu.sync_copy(rows_v[b], acc_sh.at[src_c[b]], add=True)

    plsc.subcore_barrier()
    pltpu.sync_copy(acc_sh.at[pl.ds(s * RPT, RPT)],
                    acc_out.at[c, pl.ds(s * RPT, RPT)])


_sc_call = functools.partial(
    pl.kernel,
    out_type=jax.ShapeDtypeStruct((NC, VROWS, ROWW), jnp.float32),
    mesh=plsc.VectorSubcoreMesh(
        core_axis_name="c", subcore_axis_name="s",
        num_cores=NC, num_subcores=NS),
    scratch_types=(
        [pltpu.VMEM_SHARED((VROWS, ROWW), jnp.float32)]
        + [pltpu.VMEM((CHUNK,), jnp.int32) for _ in range(2 * NBUF)]
        + [pltpu.VMEM((CHUNK, ROWW), jnp.float32) for _ in range(NBUF)]
        + [pltpu.SemaphoreType.DMA for _ in range(3 * NBUF)]
    ),
    compiler_params=pltpu.CompilerParams(use_tc_tiling_on_sc=False),
)(_sc_scatter)


TCR = VROWS * ROWW // 128


def _tc_reduce(acc_ref, v4_ref, out_ref):
    acc = acc_ref[0] + acc_ref[1]
    jj = lax.broadcasted_iota(jnp.int32, (128, 128), 0)
    kk = lax.broadcasted_iota(jnp.int32, (128, 128), 1)
    bmat = jnp.where((jj // ROWW == kk // ROWW) & (jj % ROWW == 3), 1.0, 0.0)
    deg = jnp.dot(acc, bmat, preferred_element_type=jnp.float32)
    lv = deg * v4_ref[...] - acc
    rr = lax.broadcasted_iota(jnp.int32, (TCR, 128), 0)
    cc = lax.broadcasted_iota(jnp.int32, (TCR, 128), 1)
    lv = jnp.where((rr * 128 + cc) // ROWW < NV, lv, 0.0)
    out_ref[...] = jnp.sqrt(jnp.sum(lv * lv)).reshape(1, 1)


def kernel(vertices, faces):
    v = vertices[0]
    f = faces[0]

    ft = f.T
    f0, f1, f2 = ft[0], ft[1], ft[2]
    src = jnp.concatenate([f0, f1, f0, f2, f1, f2])
    dst = jnp.concatenate([f1, f0, f2, f0, f2, f1])
    src = jnp.full((EP,), NV, jnp.int32).at[:E].set(src)
    dst = jnp.zeros((EP,), jnp.int32).at[:E].set(dst)
    src = src.reshape(NW, NCH, CHUNK)
    dst = dst.reshape(NW, NCH, CHUNK)

    v4 = jnp.concatenate([v, jnp.ones((NV, 1), jnp.float32)], axis=1)
    v4 = jnp.zeros((VROWS, ROWW), jnp.float32).at[:NV, :4].set(v4)
    zeros = jnp.zeros((VROWS, ROWW), jnp.float32)

    acc = _sc_call(v4, src, dst, zeros)

    out = pl.pallas_call(
        _tc_reduce,
        out_shape=jax.ShapeDtypeStruct((1, 1), jnp.float32),
    )(acc.reshape(NC, TCR, 128), v4.reshape(TCR, 128))
    return out[0, 0]

# --- scband reference (transcript-rebuilt; emitter-appended) ---
"""Pipeline reference for scband-laplacianloss-77506979823874 (READ-ONLY COPY).

The authoritative reference and input builder live on the scoring server;
editing this copy changes nothing except your own understanding.
"""

import jax, jax.numpy as jnp
import numpy as np

N_VERTS = 50000
N_FACES = 100000


def setup_inputs(seed: int = 0) -> dict:
    key = jax.random.key(seed)
    k1, k2, k3, k4 = jax.random.split(key, 4)
    vertices = jax.random.normal(k1, (1, N_VERTS, 3), dtype=jnp.float32)
    # Build faces with three distinct vertex indices per triangle (valid mesh faces,
    # no self-loops), matching how real mesh connectivity looks.
    v0 = jax.random.randint(k2, (N_FACES,), 0, N_VERTS)
    a = jax.random.randint(k3, (N_FACES,), 1, N_VERTS // 2)
    b = jax.random.randint(k4, (N_FACES,), N_VERTS // 2, N_VERTS)
    v1 = (v0 + a) % N_VERTS
    v2 = (v0 + b) % N_VERTS
    faces = jnp.stack([v0, v1, v2], axis=-1)[None, :, :]
    return {"vertices": vertices, "faces": faces}


def _laplacian_matvec(faces, vertices):
    # Faithful sparse version of createAdjMatrix + sparse matmul:
    # adjacency entries are SET to 1 (so duplicate edges across faces collapse),
    # diagonal is the neighbor count (degree), final matrix is L = D - A.
    n = vertices.shape[1]
    f = faces[0]
    src = jnp.concatenate([f[:, 0], f[:, 1], f[:, 0], f[:, 2], f[:, 1], f[:, 2]])
    dst = jnp.concatenate([f[:, 1], f[:, 0], f[:, 2], f[:, 0], f[:, 2], f[:, 1]])
    pairs = jnp.stack([src, dst], axis=1)
    # dedupe directed edges -> set semantics of adj_matrix[i][j] = 1
    upairs = jnp.unique(pairs, axis=0, size=6 * faces.shape[1], fill_value=n)
    us = upairs[:, 0]
    ud = upairs[:, 1]
    v = vertices[0]
    deg = jnp.zeros((n,), dtype=v.dtype).at[us].add(jnp.ones_like(us, dtype=v.dtype))
    av = jnp.zeros_like(v).at[us].add(v[ud])  # A @ v via gather + scatter-add
    lv = deg[:, None] * v - av               # (D - A) @ v
    return lv


def reference(vertices, faces):
    lv = _laplacian_matvec(faces, vertices)
    # torch.norm(matrix, 2) without dim = 2-norm of flattened tensor (Frobenius)
    return jnp.sqrt(jnp.sum(lv * lv))

if __name__ == "__main__":
    import jax
    _d = setup_inputs()
    print(jax.jit(kernel)(*tuple(_d.values())))

</pallas_src>

<mosaic_0001>
#map = affine_map<(d0, d1) -> (0, 0)>
#map1 = affine_map<(d0, d1) -> (0, 0, 0)>
module attributes {stable_mosaic.version = 14 : i64} {
  func.func @_sc_scatter(%arg0: i32, %arg1: i32, %arg2: memref<50048x8xf32, #tpu.memory_space<hbm>>, %arg3: memref<32x148x128xi32, #tpu.memory_space<hbm>>, %arg4: memref<32x148x128xi32, #tpu.memory_space<hbm>>, %arg5: memref<50048x8xf32, #tpu.memory_space<hbm>>, %arg6: memref<2x50048x8xf32, #tpu.memory_space<hbm>>, %arg7: memref<50048x8xf32, #tpu.memory_space<vmem_shared>>, %arg8: memref<128xi32, #tpu.memory_space<vmem>>, %arg9: memref<128xi32, #tpu.memory_space<vmem>>, %arg10: memref<128xi32, #tpu.memory_space<vmem>>, %arg11: memref<128xi32, #tpu.memory_space<vmem>>, %arg12: memref<128xi32, #tpu.memory_space<vmem>>, %arg13: memref<128xi32, #tpu.memory_space<vmem>>, %arg14: memref<128xi32, #tpu.memory_space<vmem>>, %arg15: memref<128xi32, #tpu.memory_space<vmem>>, %arg16: memref<128x8xf32, #tpu.memory_space<vmem>>, %arg17: memref<128x8xf32, #tpu.memory_space<vmem>>, %arg18: memref<128x8xf32, #tpu.memory_space<vmem>>, %arg19: memref<128x8xf32, #tpu.memory_space<vmem>>, %arg20: memref<!tpu.dma_semaphore, #tpu.memory_space<semaphore_mem>>, %arg21: memref<!tpu.dma_semaphore, #tpu.memory_space<semaphore_mem>>, %arg22: memref<!tpu.dma_semaphore, #tpu.memory_space<semaphore_mem>>, %arg23: memref<!tpu.dma_semaphore, #tpu.memory_space<semaphore_mem>>, %arg24: memref<!tpu.dma_semaphore, #tpu.memory_space<semaphore_mem>>, %arg25: memref<!tpu.dma_semaphore, #tpu.memory_space<semaphore_mem>>, %arg26: memref<!tpu.dma_semaphore, #tpu.memory_space<semaphore_mem>>, %arg27: memref<!tpu.dma_semaphore, #tpu.memory_space<semaphore_mem>>, %arg28: memref<!tpu.dma_semaphore, #tpu.memory_space<semaphore_mem>>, %arg29: memref<!tpu.dma_semaphore, #tpu.memory_space<semaphore_mem>>, %arg30: memref<!tpu.dma_semaphore, #tpu.memory_space<semaphore_mem>>, %arg31: memref<!tpu.dma_semaphore, #tpu.memory_space<semaphore_mem>>) attributes {dimension_semantics = [#tpu.dimension_semantics<core_parallel>, #tpu.dimension_semantics<subcore_parallel>], iteration_bounds = array<i64: 2, 16>, scalar_prefetch = 0 : i64, scratch_operands = 25 : i64, tpu.core_type = #tpu.core_type<sc_vector_subcore>, window_params = [{transform_indices = #map}, {transform_indices = #map1}, {transform_indices = #map1}, {transform_indices = #map}, {transform_indices = #map1}]} {
    %mul3A = arith.constant 16 : i32
    %mul3A_0 = arith.muli %arg0, %mul3A : i32
    %add3A = arith.addi %mul3A_0, %arg1 : i32
    %mul3A_1 = arith.constant 3128 : i32
    %mul3A_2 = arith.muli %arg1, %mul3A_1 : i32
    %mul3A_3 = arith.constant 3128 : i32
    %mul3A_4 = arith.muli %arg1, %mul3A_3 : i32
    "tpu.region"() ({
      %run_scoped3A = tpu.sem_alloc : memref<!tpu.dma_semaphore, #tpu.memory_space<semaphore_mem>>
      %dma_start3A_71 = arith.constant 0 : i32
      %dma_start3A_72 = tpu.memref_slice %arg7[%mul3A_4, %dma_start3A_71] : memref<50048x8xf32, #tpu.memory_space<vmem_shared>> -> memref<3128x8xf32, #tpu.memory_space<vmem_shared>>
      %dma_start3A_73 = arith.constant 0 : i32
      %dma_start3A_74 = tpu.memref_slice %arg5[%mul3A_2, %dma_start3A_73] : memref<50048x8xf32, #tpu.memory_space<hbm>> -> memref<3128x8xf32, #tpu.memory_space<hbm>>
      tpu.enqueue_dma source(%dma_start3A_74 : memref<3128x8xf32, #tpu.memory_space<hbm>>) target(%dma_start3A_72 : memref<3128x8xf32, #tpu.memory_space<vmem_shared>>) target_semaphore(%run_scoped3A : memref<!tpu.dma_semaphore, #tpu.memory_space<semaphore_mem>>)
      %dma_wait3A_75 = arith.constant 0 : i32
      %dma_wait3A_76 = tpu.memref_slice %arg7[%mul3A_4, %dma_wait3A_75] : memref<50048x8xf32, #tpu.memory_space<vmem_shared>> -> memref<3128x8xf32, #tpu.memory_space<vmem_shared>>
      %dma_wait3A_77 = arith.constant 0 : i32
      %dma_wait3A_78 = tpu.memref_slice %arg5[%mul3A_2, %dma_wait3A_77] : memref<50048x8xf32, #tpu.memory_space<hbm>> -> memref<3128x8xf32, #tpu.memory_space<hbm>>
      tpu.wait_dma2 semaphore(%run_scoped3A : memref<!tpu.dma_semaphore, #tpu.memory_space<semaphore_mem>>) src(%dma_wait3A_78 : memref<3128x8xf32, #tpu.memory_space<hbm>>) dst(%dma_wait3A_76 : memref<3128x8xf32, #tpu.memory_space<vmem_shared>>)
      tpu.yield
    }) : () -> ()
    %dma_start3A = arith.constant 0 : i32
    %dma_start3A_5 = arith.constant 0 : i32
    %dma_start3A_6 = tpu.memref_slice %arg3[%add3A, %dma_start3A, %dma_start3A_5] : memref<32x148x128xi32, #tpu.memory_space<hbm>> -> memref<1x1x128xi32, #tpu.memory_space<hbm>>
    %dma_start3A_7 = tpu.memref_squeeze %dma_start3A_6 : memref<1x1x128xi32, #tpu.memory_space<hbm>> -> memref<128xi32, #tpu.memory_space<hbm>>
    %dma_start3A_8 = arith.constant 0 : i32
    %dma_start3A_9 = tpu.memref_slice %arg3[%add3A, %dma_start3A, %dma_start3A_8] : memref<32x148x128xi32, #tpu.memory_space<hbm>> -> memref<1x1x128xi32, #tpu.memory_space<hbm>>
    %dma_start3A_10 = tpu.memref_squeeze %dma_start3A_9 : memref<1x1x128xi32, #tpu.memory_space<hbm>> -> memref<128xi32, #tpu.memory_space<hbm>>
    tpu.enqueue_dma source(%dma_start3A_10 : memref<128xi32, #tpu.memory_space<hbm>>) target(%arg8 : memref<128xi32, #tpu.memory_space<vmem>>) target_semaphore(%arg20 : memref<!tpu.dma_semaphore, #tpu.memory_space<semaphore_mem>>)
    %dma_start3A_11 = arith.constant 0 : i32
    %dma_start3A_12 = arith.constant 0 : i32
    %dma_start3A_13 = tpu.memref_slice %arg4[%add3A, %dma_start3A_11, %dma_start3A_12] : memref<32x148x128xi32, #tpu.memory_space<hbm>> -> memref<1x1x128xi32, #tpu.memory_space<hbm>>
    %dma_start3A_14 = tpu.memref_squeeze %dma_start3A_13 : memref<1x1x128xi32, #tpu.memory_space<hbm>> -> memref<128xi32, #tpu.memory_space<hbm>>
    %dma_start3A_15 = arith.constant 0 : i32
    %dma_start3A_16 = tpu.memref_slice %arg4[%add3A, %dma_start3A_11, %dma_start3A_15] : memref<32x148x128xi32, #tpu.memory_space<hbm>> -> memref<1x1x128xi32, #tpu.memory_space<hbm>>
    %dma_start3A_17 = tpu.memref_squeeze %dma_start3A_16 : memref<1x1x128xi32, #tpu.memory_space<hbm>> -> memref<128xi32, #tpu.memory_space<hbm>>
    tpu.enqueue_dma source(%dma_start3A_17 : memref<128xi32, #tpu.memory_space<hbm>>) target(%arg12 : memref<128xi32, #tpu.memory_space<vmem>>) target_semaphore(%arg24 : memref<!tpu.dma_semaphore, #tpu.memory_space<semaphore_mem>>)
    %dma_start3A_18 = arith.constant 1 : i32
    %dma_start3A_19 = arith.constant 0 : i32
    %dma_start3A_20 = tpu.memref_slice %arg3[%add3A, %dma_start3A_18, %dma_start3A_19] : memref<32x148x128xi32, #tpu.memory_space<hbm>> -> memref<1x1x128xi32, #tpu.memory_space<hbm>>
    %dma_start3A_21 = tpu.memref_squeeze %dma_start3A_20 : memref<1x1x128xi32, #tpu.memory_space<hbm>> -> memref<128xi32, #tpu.memory_space<hbm>>
    %dma_start3A_22 = arith.constant 0 : i32
    %dma_start3A_23 = tpu.memref_slice %arg3[%add3A, %dma_start3A_18, %dma_start3A_22] : memref<32x148x128xi32, #tpu.memory_space<hbm>> -> memref<1x1x128xi32, #tpu.memory_space<hbm>>
    %dma_start3A_24 = tpu.memref_squeeze %dma_start3A_23 : memref<1x1x128xi32, #tpu.memory_space<hbm>> -> memref<128xi32, #tpu.memory_space<hbm>>
    tpu.enqueue_dma source(%dma_start3A_24 : memref<128xi32, #tpu.memory_space<hbm>>) target(%arg9 : memref<128xi32, #tpu.memory_space<vmem>>) target_semaphore(%arg21 : memref<!tpu.dma_semaphore, #tpu.memory_space<semaphore_mem>>)
    %dma_start3A_25 = arith.constant 1 : i32
    %dma_start3A_26 = arith.constant 0 : i32
    %dma_start3A_27 = tpu.memref_slice %arg4[%add3A, %dma_start3A_25, %dma_start3A_26] : memref<32x148x128xi32, #tpu.memory_space<hbm>> -> memref<1x1x128xi32, #tpu.memory_space<hbm>>
    %dma_start3A_28 = tpu.memref_squeeze %dma_start3A_27 : memref<1x1x128xi32, #tpu.memory_space<hbm>> -> memref<128xi32, #tpu.memory_space<hbm>>
    %dma_start3A_29 = arith.constant 0 : i32
    %dma_start3A_30 = tpu.memref_slice %arg4[%add3A, %dma_start3A_25, %dma_start3A_29] : memref<32x148x128xi32, #tpu.memory_space<hbm>> -> memref<1x1x128xi32, #tpu.memory_space<hbm>>
    %dma_start3A_31 = tpu.memref_squeeze %dma_start3A_30 : memref<1x1x128xi32, #tpu.memory_space<hbm>> -> memref<128xi32, #tpu.memory_space<hbm>>
    tpu.enqueue_dma source(%dma_start3A_31 : memref<128xi32, #tpu.memory_space<hbm>>) target(%arg13 : memref<128xi32, #tpu.memory_space<vmem>>) target_semaphore(%arg25 : memref<!tpu.dma_semaphore, #tpu.memory_space<semaphore_mem>>)
    %dma_start3A_32 = arith.constant 2 : i32
    %dma_start3A_33 = arith.constant 0 : i32
    %dma_start3A_34 = tpu.memref_slice %arg3[%add3A, %dma_start3A_32, %dma_start3A_33] : memref<32x148x128xi32, #tpu.memory_space<hbm>> -> memref<1x1x128xi32, #tpu.memory_space<hbm>>
    %dma_start3A_35 = tpu.memref_squeeze %dma_start3A_34 : memref<1x1x128xi32, #tpu.memory_space<hbm>> -> memref<128xi32, #tpu.memory_space<hbm>>
    %dma_start3A_36 = arith.constant 0 : i32
    %dma_start3A_37 = tpu.memref_slice %arg3[%add3A, %dma_start3A_32, %dma_start3A_36] : memref<32x148x128xi32, #tpu.memory_space<hbm>> -> memref<1x1x128xi32, #tpu.memory_space<hbm>>
    %dma_start3A_38 = tpu.memref_squeeze %dma_start3A_37 : memref<1x1x128xi32, #tpu.memory_space<hbm>> -> memref<128xi32, #tpu.memory_space<hbm>>
    tpu.enqueue_dma source(%dma_start3A_38 : memref<128xi32, #tpu.memory_space<hbm>>) target(%arg10 : memref<128xi32, #tpu.memory_space<vmem>>) target_semaphore(%arg22 : memref<!tpu.dma_semaphore, #tpu.memory_space<semaphore_mem>>)
    %dma_start3A_39 = arith.constant 2 : i32
    %dma_start3A_40 = arith.constant 0 : i32
    %dma_start3A_41 = tpu.memref_slice %arg4[%add3A, %dma_start3A_39, %dma_start3A_40] : memref<32x148x128xi32, #tpu.memory_space<hbm>> -> memref<1x1x128xi32, #tpu.memory_space<hbm>>
    %dma_start3A_42 = tpu.memref_squeeze %dma_start3A_41 : memref<1x1x128xi32, #tpu.memory_space<hbm>> -> memref<128xi32, #tpu.memory_space<hbm>>
    %dma_start3A_43 = arith.constant 0 : i32
    %dma_start3A_44 = tpu.memref_slice %arg4[%add3A, %dma_start3A_39, %dma_start3A_43] : memref<32x148x128xi32, #tpu.memory_space<hbm>> -> memref<1x1x128xi32, #tpu.memory_space<hbm>>
    %dma_start3A_45 = tpu.memref_squeeze %dma_start3A_44 : memref<1x1x128xi32, #tpu.memory_space<hbm>> -> memref<128xi32, #tpu.memory_space<hbm>>
    tpu.enqueue_dma source(%dma_start3A_45 : memref<128xi32, #tpu.memory_space<hbm>>) target(%arg14 : memref<128xi32, #tpu.memory_space<vmem>>) target_semaphore(%arg26 : memref<!tpu.dma_semaphore, #tpu.memory_space<semaphore_mem>>)
    %barrier3A = arith.constant 0 : index
    tpu.barrier barrier_id(%barrier3A)
    %dma_wait3A = arith.constant 0 : i32
    %dma_wait3A_46 = arith.constant 0 : i32
    %dma_wait3A_47 = tpu.memref_slice %arg3[%add3A, %dma_wait3A, %dma_wait3A_46] : memref<32x148x128xi32, #tpu.memory_space<hbm>> -> memref<1x1x128xi32, #tpu.memory_space<hbm>>
    %dma_wait3A_48 = tpu.memref_squeeze %dma_wait3A_47 : memref<1x1x128xi32, #tpu.memory_space<hbm>> -> memref<128xi32, #tpu.memory_space<hbm>>
    %dma_wait3A_49 = arith.constant 0 : i32
    %dma_wait3A_50 = tpu.memref_slice %arg3[%add3A, %dma_wait3A, %dma_wait3A_49] : memref<32x148x128xi32, #tpu.memory_space<hbm>> -> memref<1x1x128xi32, #tpu.memory_space<hbm>>
    %dma_wait3A_51 = tpu.memref_squeeze %dma_wait3A_50 : memref<1x1x128xi32, #tpu.memory_space<hbm>> -> memref<128xi32, #tpu.memory_space<hbm>>
    tpu.wait_dma2 semaphore(%arg20 : memref<!tpu.dma_semaphore, #tpu.memory_space<semaphore_mem>>) src(%dma_wait3A_51 : memref<128xi32, #tpu.memory_space<hbm>>) dst(%arg8 : memref<128xi32, #tpu.memory_space<vmem>>)
    %dma_wait3A_52 = arith.constant 0 : i32
    %dma_wait3A_53 = arith.constant 0 : i32
    %dma_wait3A_54 = tpu.memref_slice %arg4[%add3A, %dma_wait3A_52, %dma_wait3A_53] : memref<32x148x128xi32, #tpu.memory_space<hbm>> -> memref<1x1x128xi32, #tpu.memory_space<hbm>>
    %dma_wait3A_55 = tpu.memref_squeeze %dma_wait3A_54 : memref<1x1x128xi32, #tpu.memory_space<hbm>> -> memref<128xi32, #tpu.memory_space<hbm>>
    %dma_wait3A_56 = arith.constant 0 : i32
    %dma_wait3A_57 = tpu.memref_slice %arg4[%add3A, %dma_wait3A_52, %dma_wait3A_56] : memref<32x148x128xi32, #tpu.memory_space<hbm>> -> memref<1x1x128xi32, #tpu.memory_space<hbm>>
    %dma_wait3A_58 = tpu.memref_squeeze %dma_wait3A_57 : memref<1x1x128xi32, #tpu.memory_space<hbm>> -> memref<128xi32, #tpu.memory_space<hbm>>
    tpu.wait_dma2 semaphore(%arg24 : memref<!tpu.dma_semaphore, #tpu.memory_space<semaphore_mem>>) src(%dma_wait3A_58 : memref<128xi32, #tpu.memory_space<hbm>>) dst(%arg12 : memref<128xi32, #tpu.memory_space<vmem>>)
    %dma_start3A_59 = arith.constant 0 : i32
    %dma_start3A_60 = arith.constant 0 : i32
    %dma_start3A_61 = tpu.memref_slice %arg2[%dma_start3A_59, %dma_start3A_60] : memref<50048x8xf32, #tpu.memory_space<hbm>> -> memref<50048x8xf32, #tpu.memory_space<hbm>>
    tpu.enqueue_indirect_dma source(%dma_start3A_61 : memref<50048x8xf32, #tpu.memory_space<hbm>>) target(%arg16 : memref<128x8xf32, #tpu.memory_space<vmem>>) offsets(%arg12 : memref<128xi32, #tpu.memory_space<vmem>>) semaphore(%arg28 : memref<!tpu.dma_semaphore, #tpu.memory_space<semaphore_mem>>)
    %scan3A = arith.constant 0 : i32
    %scan3A_62 = arith.constant 37 : i32
    %scan3A_63 = arith.addi %scan3A, %scan3A_62 : i32
    %scan3A_64 = arith.constant 1 : i32
    scf.for %scan3A_71 = %scan3A to %scan3A_63 step %scan3A_64  : i32 {
      %mul3A_72 = arith.constant 4 : i32
      %mul3A_73 = arith.muli %scan3A_71, %mul3A_72 : i32
      %add3A_74 = arith.constant 0 : i32
      %add3A_75 = arith.addi %add3A_74, %mul3A_73 : i32
      %add3A_76 = arith.constant 0 : i32
      %add3A_77 = arith.addi %add3A_75, %add3A_76 : i32
      %add3A_78 = arith.constant 1 : i32
      %add3A_79 = arith.addi %add3A_77, %add3A_78 : i32
      %lt3A = arith.constant 148 : i32
      %lt3A_80 = arith.cmpi slt, %add3A_79, %lt3A : i32
      %convert_element_type3A = arith.extui %lt3A_80 : i1 to i32
      %cond3A = arith.constant 0 : i32
      %cond3A_81 = arith.cmpi ne, %convert_element_type3A, %cond3A : i32
      scf.if %cond3A_81 {
        %add3A_164 = arith.constant 1 : i32
        %add3A_165 = arith.addi %add3A_77, %add3A_164 : i32
        %dma_wait3A_166 = arith.constant 0 : i32
        %dma_wait3A_167 = tpu.memref_slice %arg3[%add3A, %add3A_165, %dma_wait3A_166] : memref<32x148x128xi32, #tpu.memory_space<hbm>> -> memref<1x1x128xi32, #tpu.memory_space<hbm>>
        %dma_wait3A_168 = tpu.memref_squeeze %dma_wait3A_167 : memref<1x1x128xi32, #tpu.memory_space<hbm>> -> memref<128xi32, #tpu.memory_space<hbm>>
        %dma_wait3A_169 = arith.constant 0 : i32
        %dma_wait3A_170 = tpu.memref_slice %arg3[%add3A, %add3A_165, %dma_wait3A_169] : memref<32x148x128xi32, #tpu.memory_space<hbm>> -> memref<1x1x128xi32, #tpu.memory_space<hbm>>
        %dma_wait3A_171 = tpu.memref_squeeze %dma_wait3A_170 : memref<1x1x128xi32, #tpu.memory_space<hbm>> -> memref<128xi32, #tpu.memory_space<hbm>>
        tpu.wait_dma2 semaphore(%arg21 : memref<!tpu.dma_semaphore, #tpu.memory_space<semaphore_mem>>) src(%dma_wait3A_171 : memref<128xi32, #tpu.memory_space<hbm>>) dst(%arg9 : memref<128xi32, #tpu.memory_space<vmem>>)
        %dma_wait3A_172 = arith.constant 0 : i32
        %dma_wait3A_173 = tpu.memref_slice %arg4[%add3A, %add3A_165, %dma_wait3A_172] : memref<32x148x128xi32, #tpu.memory_space<hbm>> -> memref<1x1x128xi32, #tpu.memory_space<hbm>>
        %dma_wait3A_174 = tpu.memref_squeeze %dma_wait3A_173 : memref<1x1x128xi32, #tpu.memory_space<hbm>> -> memref<128xi32, #tpu.memory_space<hbm>>
        %dma_wait3A_175 = arith.constant 0 : i32
        %dma_wait3A_176 = tpu.memref_slice %arg4[%add3A, %add3A_165, %dma_wait3A_175] : memref<32x148x128xi32, #tpu.memory_space<hbm>> -> memref<1x1x128xi32, #tpu.memory_space<hbm>>
        %dma_wait3A_177 = tpu.memref_squeeze %dma_wait3A_176 : memref<1x1x128xi32, #tpu.memory_space<hbm>> -> memref<128xi32, #tpu.memory_space<hbm>>
        tpu.wait_dma2 semaphore(%arg25 : memref<!tpu.dma_semaphore, #tpu.memory_space<semaphore_mem>>) src(%dma_wait3A_177 : memref<128xi32, #tpu.memory_space<hbm>>) dst(%arg13 : memref<128xi32, #tpu.memory_space<vmem>>)
        %dma_start3A_178 = arith.constant 0 : i32
        %dma_start3A_179 = arith.constant 0 : i32
        %dma_start3A_180 = tpu.memref_slice %arg2[%dma_start3A_178, %dma_start3A_179] : memref<50048x8xf32, #tpu.memory_space<hbm>> -> memref<50048x8xf32, #tpu.memory_space<hbm>>
        tpu.enqueue_indirect_dma source(%dma_start3A_180 : memref<50048x8xf32, #tpu.memory_space<hbm>>) target(%arg17 : memref<128x8xf32, #tpu.memory_space<vmem>>) offsets(%arg13 : memref<128xi32, #tpu.memory_space<vmem>>) semaphore(%arg29 : memref<!tpu.dma_semaphore, #tpu.memory_space<semaphore_mem>>)
      } else {
      }
      %add3A_82 = arith.constant 4 : i32
      %add3A_83 = arith.addi %add3A_77, %add3A_82 : i32
      %sub3A = arith.constant 1 : i32
      %sub3A_84 = arith.subi %add3A_83, %sub3A : i32
      %lt3A_85 = arith.constant 148 : i32
      %lt3A_86 = arith.cmpi slt, %sub3A_84, %lt3A_85 : i32
      %convert_element_type3A_87 = arith.extui %lt3A_86 : i1 to i32
      %cond3A_88 = arith.constant 0 : i32
      %cond3A_89 = arith.cmpi ne, %convert_element_type3A_87, %cond3A_88 : i32
      scf.if %cond3A_89 {
        %add3A_164 = arith.constant 4 : i32
        %add3A_165 = arith.addi %add3A_77, %add3A_164 : i32
        %sub3A_166 = arith.constant 1 : i32
        %sub3A_167 = arith.subi %add3A_165, %sub3A_166 : i32
        %dma_start3A_168 = arith.constant 0 : i32
        %dma_start3A_169 = tpu.memref_slice %arg3[%add3A, %sub3A_167, %dma_start3A_168] : memref<32x148x128xi32, #tpu.memory_space<hbm>> -> memref<1x1x128xi32, #tpu.memory_space<hbm>>
        %dma_start3A_170 = tpu.memref_squeeze %dma_start3A_169 : memref<1x1x128xi32, #tpu.memory_space<hbm>> -> memref<128xi32, #tpu.memory_space<hbm>>
        %dma_start3A_171 = arith.constant 0 : i32
        %dma_start3A_172 = tpu.memref_slice %arg3[%add3A, %sub3A_167, %dma_start3A_171] : memref<32x148x128xi32, #tpu.memory_space<hbm>> -> memref<1x1x128xi32, #tpu.memory_space<hbm>>
        %dma_start3A_173 = tpu.memref_squeeze %dma_start3A_172 : memref<1x1x128xi32, #tpu.memory_space<hbm>> -> memref<128xi32, #tpu.memory_space<hbm>>
        tpu.enqueue_dma source(%dma_start3A_173 : memref<128xi32, #tpu.memory_space<hbm>>) target(%arg11 : memref<128xi32, #tpu.memory_space<vmem>>) target_semaphore(%arg23 : memref<!tpu.dma_semaphore, #tpu.memory_space<semaphore_mem>>)
        %dma_start3A_174 = arith.constant 0 : i32
        %dma_start3A_175 = tpu.memref_slice %arg4[%add3A, %sub3A_167, %dma_start3A_174] : memref<32x148x128xi32, #tpu.memory_space<hbm>> -> memref<1x1x128xi32, #tpu.memory_space<hbm>>
        %dma_start3A_176 = tpu.memref_squeeze %dma_start3A_175 : memref<1x1x128xi32, #tpu.memory_space<hbm>> -> memref<128xi32, #tpu.memory_space<hbm>>
        %dma_start3A_177 = arith.constant 0 : i32
        %dma_start3A_178 = tpu.memref_slice %arg4[%add3A, %sub3A_167, %dma_start3A_177] : memref<32x148x128xi32, #tpu.memory_space<hbm>> -> memref<1x1x128xi32, #tpu.memory_space<hbm>>
        %dma_start3A_179 = tpu.memref_squeeze %dma_start3A_178 : memref<1x1x128xi32, #tpu.memory_space<hbm>> -> memref<128xi32, #tpu.memory_space<hbm>>
        tpu.enqueue_dma source(%dma_start3A_179 : memref<128xi32, #tpu.memory_space<hbm>>) target(%arg15 : memref<128xi32, #tpu.memory_space<vmem>>) target_semaphore(%arg27 : memref<!tpu.dma_semaphore, #tpu.memory_space<semaphore_mem>>)
      } else {
      }
      %lt3A_90 = arith.constant 148 : i32
      %lt3A_91 = arith.cmpi slt, %add3A_77, %lt3A_90 : i32
      %convert_element_type3A_92 = arith.extui %lt3A_91 : i1 to i32
      %cond3A_93 = arith.constant 0 : i32
      %cond3A_94 = arith.cmpi ne, %convert_element_type3A_92, %cond3A_93 : i32
      scf.if %cond3A_94 {
        %dma_wait3A_164 = arith.constant 0 : i32
        %dma_wait3A_165 = arith.constant 0 : i32
        %dma_wait3A_166 = tpu.memref_slice %arg2[%dma_wait3A_164, %dma_wait3A_165] : memref<50048x8xf32, #tpu.memory_space<hbm>> -> memref<50048x8xf32, #tpu.memory_space<hbm>>
        tpu.wait_indirect_dma semaphore(%arg28 : memref<!tpu.dma_semaphore, #tpu.memory_space<semaphore_mem>>) src(%dma_wait3A_166 : memref<50048x8xf32, #tpu.memory_space<hbm>>) dst(%arg16 : memref<128x8xf32, #tpu.memory_space<vmem>>)
        "tpu.region"() ({
          %run_scoped3A = tpu.sem_alloc : memref<!tpu.dma_semaphore, #tpu.memory_space<semaphore_mem>>
          %dma_start3A_167 = arith.constant 0 : i32
          %dma_start3A_168 = arith.constant 0 : i32
          %dma_start3A_169 = tpu.memref_slice %arg7[%dma_start3A_167, %dma_start3A_168] : memref<50048x8xf32, #tpu.memory_space<vmem_shared>> -> memref<50048x8xf32, #tpu.memory_space<vmem_shared>>
          tpu.enqueue_indirect_dma source(%arg16 : memref<128x8xf32, #tpu.memory_space<vmem>>) target(%dma_start3A_169 : memref<50048x8xf32, #tpu.memory_space<vmem_shared>>) offsets(%arg8 : memref<128xi32, #tpu.memory_space<vmem>>) semaphore(%run_scoped3A : memref<!tpu.dma_semaphore, #tpu.memory_space<semaphore_mem>>) {add = true}
          %dma_wait3A_170 = arith.constant 0 : i32
          %dma_wait3A_171 = arith.constant 0 : i32
          %dma_wait3A_172 = tpu.memref_slice %arg7[%dma_wait3A_170, %dma_wait3A_171] : memref<50048x8xf32, #tpu.memory_space<vmem_shared>> -> memref<50048x8xf32, #tpu.memory_space<vmem_shared>>
          tpu.wait_indirect_dma semaphore(%run_scoped3A : memref<!tpu.dma_semaphore, #tpu.memory_space<semaphore_mem>>) src(%arg16 : memref<128x8xf32, #tpu.memory_space<vmem>>) dst(%dma_wait3A_172 : memref<50048x8xf32, #tpu.memory_space<vmem_shared>>)
          tpu.yield
        }) : () -> ()
      } else {
      }
      %add3A_95 = arith.constant 1 : i32
      %add3A_96 = arith.addi %add3A_75, %add3A_95 : i32
      %add3A_97 = arith.constant 1 : i32
      %add3A_98 = arith.addi %add3A_96, %add3A_97 : i32
      %lt3A_99 = arith.constant 148 : i32
      %lt3A_100 = arith.cmpi slt, %add3A_98, %lt3A_99 : i32
      %convert_element_type3A_101 = arith.extui %lt3A_100 : i1 to i32
      %cond3A_102 = arith.constant 0 : i32
      %cond3A_103 = arith.cmpi ne, %convert_element_type3A_101, %cond3A_102 : i32
      scf.if %cond3A_103 {
        %add3A_164 = arith.constant 1 : i32
        %add3A_165 = arith.addi %add3A_96, %add3A_164 : i32
        %dma_wait3A_166 = arith.constant 0 : i32
        %dma_wait3A_167 = tpu.memref_slice %arg3[%add3A, %add3A_165, %dma_wait3A_166] : memref<32x148x128xi32, #tpu.memory_space<hbm>> -> memref<1x1x128xi32, #tpu.memory_space<hbm>>
        %dma_wait3A_168 = tpu.memref_squeeze %dma_wait3A_167 : memref<1x1x128xi32, #tpu.memory_space<hbm>> -> memref<128xi32, #tpu.memory_space<hbm>>
        %dma_wait3A_169 = arith.constant 0 : i32
        %dma_wait3A_170 = tpu.memref_slice %arg3[%add3A, %add3A_165, %dma_wait3A_169] : memref<32x148x128xi32, #tpu.memory_space<hbm>> -> memref<1x1x128xi32, #tpu.memory_space<hbm>>
        %dma_wait3A_171 = tpu.memref_squeeze %dma_wait3A_170 : memref<1x1x128xi32, #tpu.memory_space<hbm>> -> memref<128xi32, #tpu.memory_space<hbm>>
        tpu.wait_dma2 semaphore(%arg22 : memref<!tpu.dma_semaphore, #tpu.memory_space<semaphore_mem>>) src(%dma_wait3A_171 : memref<128xi32, #tpu.memory_space<hbm>>) dst(%arg10 : memref<128xi32, #tpu.memory_space<vmem>>)
        %dma_wait3A_172 = arith.constant 0 : i32
        %dma_wait3A_173 = tpu.memref_slice %arg4[%add3A, %add3A_165, %dma_wait3A_172] : memref<32x148x128xi32, #tpu.memory_space<hbm>> -> memref<1x1x128xi32, #tpu.memory_space<hbm>>
        %dma_wait3A_174 = tpu.memref_squeeze %dma_wait3A_173 : memref<1x1x128xi32, #tpu.memory_space<hbm>> -> memref<128xi32, #tpu.memory_space<hbm>>
        %dma_wait3A_175 = arith.constant 0 : i32
        %dma_wait3A_176 = tpu.memref_slice %arg4[%add3A, %add3A_165, %dma_wait3A_175] : memref<32x148x128xi32, #tpu.memory_space<hbm>> -> memref<1x1x128xi32, #tpu.memory_space<hbm>>
        %dma_wait3A_177 = tpu.memref_squeeze %dma_wait3A_176 : memref<1x1x128xi32, #tpu.memory_space<hbm>> -> memref<128xi32, #tpu.memory_space<hbm>>
        tpu.wait_dma2 semaphore(%arg26 : memref<!tpu.dma_semaphore, #tpu.memory_space<semaphore_mem>>) src(%dma_wait3A_177 : memref<128xi32, #tpu.memory_space<hbm>>) dst(%arg14 : memref<128xi32, #tpu.memory_space<vmem>>)
        %dma_start3A_178 = arith.constant 0 : i32
        %dma_start3A_179 = arith.constant 0 : i32
        %dma_start3A_180 = tpu.memref_slice %arg2[%dma_start3A_178, %dma_start3A_179] : memref<50048x8xf32, #tpu.memory_space<hbm>> -> memref<50048x8xf32, #tpu.memory_space<hbm>>
        tpu.enqueue_indirect_dma source(%dma_start3A_180 : memref<50048x8xf32, #tpu.memory_space<hbm>>) target(%arg18 : memref<128x8xf32, #tpu.memory_space<vmem>>) offsets(%arg14 : memref<128xi32, #tpu.memory_space<vmem>>) semaphore(%arg30 : memref<!tpu.dma_semaphore, #tpu.memory_space<semaphore_mem>>)
      } else {
      }
      %add3A_104 = arith.constant 4 : i32
      %add3A_105 = arith.addi %add3A_96, %add3A_104 : i32
      %sub3A_106 = arith.constant 1 : i32
      %sub3A_107 = arith.subi %add3A_105, %sub3A_106 : i32
      %lt3A_108 = arith.constant 148 : i32
      %lt3A_109 = arith.cmpi slt, %sub3A_107, %lt3A_108 : i32
      %convert_element_type3A_110 = arith.extui %lt3A_109 : i1 to i32
      %cond3A_111 = arith.constant 0 : i32
      %cond3A_112 = arith.cmpi ne, %convert_element_type3A_110, %cond3A_111 : i32
      scf.if %cond3A_112 {
        %add3A_164 = arith.constant 4 : i32
        %add3A_165 = arith.addi %add3A_96, %add3A_164 : i32
        %sub3A_166 = arith.constant 1 : i32
        %sub3A_167 = arith.subi %add3A_165, %sub3A_166 : i32
        %dma_start3A_168 = arith.constant 0 : i32
        %dma_start3A_169 = tpu.memref_slice %arg3[%add3A, %sub3A_167, %dma_start3A_168] : memref<32x148x128xi32, #tpu.memory_space<hbm>> -> memref<1x1x128xi32, #tpu.memory_space<hbm>>
        %dma_start3A_170 = tpu.memref_squeeze %dma_start3A_169 : memref<1x1x128xi32, #tpu.memory_space<hbm>> -> memref<128xi32, #tpu.memory_space<hbm>>
        %dma_start3A_171 = arith.constant 0 : i32
        %dma_start3A_172 = tpu.memref_slice %arg3[%add3A, %sub3A_167, %dma_start3A_171] : memref<32x148x128xi32, #tpu.memory_space<hbm>> -> memref<1x1x128xi32, #tpu.memory_space<hbm>>
        %dma_start3A_173 = tpu.memref_squeeze %dma_start3A_172 : memref<1x1x128xi32, #tpu.memory_space<hbm>> -> memref<128xi32, #tpu.memory_space<hbm>>
        tpu.enqueue_dma source(%dma_start3A_173 : memref<128xi32, #tpu.memory_space<hbm>>) target(%arg8 : memref<128xi32, #tpu.memory_space<vmem>>) target_semaphore(%arg20 : memref<!tpu.dma_semaphore, #tpu.memory_space<semaphore_mem>>)
        %dma_start3A_174 = arith.constant 0 : i32
        %dma_start3A_175 = tpu.memref_slice %arg4[%add3A, %sub3A_167, %dma_start3A_174] : memref<32x148x128xi32, #tpu.memory_space<hbm>> -> memref<1x1x128xi32, #tpu.memory_space<hbm>>
        %dma_start3A_176 = tpu.memref_squeeze %dma_start3A_175 : memref<1x1x128xi32, #tpu.memory_space<hbm>> -> memref<128xi32, #tpu.memory_space<hbm>>
        %dma_start3A_177 = arith.constant 0 : i32
        %dma_start3A_178 = tpu.memref_slice %arg4[%add3A, %sub3A_167, %dma_start3A_177] : memref<32x148x128xi32, #tpu.memory_space<hbm>> -> memref<1x1x128xi32, #tpu.memory_space<hbm>>
        %dma_start3A_179 = tpu.memref_squeeze %dma_start3A_178 : memref<1x1x128xi32, #tpu.memory_space<hbm>> -> memref<128xi32, #tpu.memory_space<hbm>>
        tpu.enqueue_dma source(%dma_start3A_179 : memref<128xi32, #tpu.memory_space<hbm>>) target(%arg12 : memref<128xi32, #tpu.memory_space<vmem>>) target_semaphore(%arg24 : memref<!tpu.dma_semaphore, #tpu.memory_space<semaphore_mem>>)
      } else {
      }
      %lt3A_113 = arith.constant 148 : i32
      %lt3A_114 = arith.cmpi slt, %add3A_96, %lt3A_113 : i32
      %convert_element_type3A_115 = arith.extui %lt3A_114 : i1 to i32
      %cond3A_116 = arith.constant 0 : i32
      %cond3A_117 = arith.cmpi ne, %convert_element_type3A_115, %cond3A_116 : i32
      scf.if %cond3A_117 {
        %dma_wait3A_164 = arith.constant 0 : i32
        %dma_wait3A_165 = arith.constant 0 : i32
        %dma_wait3A_166 = tpu.memref_slice %arg2[%dma_wait3A_164, %dma_wait3A_165] : memref<50048x8xf32, #tpu.memory_space<hbm>> -> memref<50048x8xf32, #tpu.memory_space<hbm>>
        tpu.wait_indirect_dma semaphore(%arg29 : memref<!tpu.dma_semaphore, #tpu.memory_space<semaphore_mem>>) src(%dma_wait3A_166 : memref<50048x8xf32, #tpu.memory_space<hbm>>) dst(%arg17 : memref<128x8xf32, #tpu.memory_space<vmem>>)
        "tpu.region"() ({
          %run_scoped3A = tpu.sem_alloc : memref<!tpu.dma_semaphore, #tpu.memory_space<semaphore_mem>>
          %dma_start3A_167 = arith.constant 0 : i32
          %dma_start3A_168 = arith.constant 0 : i32
          %dma_start3A_169 = tpu.memref_slice %arg7[%dma_start3A_167, %dma_start3A_168] : memref<50048x8xf32, #tpu.memory_space<vmem_shared>> -> memref<50048x8xf32, #tpu.memory_space<vmem_shared>>
          tpu.enqueue_indirect_dma source(%arg17 : memref<128x8xf32, #tpu.memory_space<vmem>>) target(%dma_start3A_169 : memref<50048x8xf32, #tpu.memory_space<vmem_shared>>) offsets(%arg9 : memref<128xi32, #tpu.memory_space<vmem>>) semaphore(%run_scoped3A : memref<!tpu.dma_semaphore, #tpu.memory_space<semaphore_mem>>) {add = true}
          %dma_wait3A_170 = arith.constant 0 : i32
          %dma_wait3A_171 = arith.constant 0 : i32
          %dma_wait3A_172 = tpu.memref_slice %arg7[%dma_wait3A_170, %dma_wait3A_171] : memref<50048x8xf32, #tpu.memory_space<vmem_shared>> -> memref<50048x8xf32, #tpu.memory_space<vmem_shared>>
          tpu.wait_indirect_dma semaphore(%run_scoped3A : memref<!tpu.dma_semaphore, #tpu.memory_space<semaphore_mem>>) src(%arg17 : memref<128x8xf32, #tpu.memory_space<vmem>>) dst(%dma_wait3A_172 : memref<50048x8xf32, #tpu.memory_space<vmem_shared>>)
          tpu.yield
        }) : () -> ()
      } else {
      }
      %add3A_118 = arith.constant 2 : i32
      %add3A_119 = arith.addi %add3A_75, %add3A_118 : i32
      %add3A_120 = arith.constant 1 : i32
      %add3A_121 = arith.addi %add3A_119, %add3A_120 : i32
      %lt3A_122 = arith.constant 148 : i32
      %lt3A_123 = arith.cmpi slt, %add3A_121, %lt3A_122 : i32
      %convert_element_type3A_124 = arith.extui %lt3A_123 : i1 to i32
      %cond3A_125 = arith.constant 0 : i32
      %cond3A_126 = arith.cmpi ne, %convert_element_type3A_124, %cond3A_125 : i32
      scf.if %cond3A_126 {
        %add3A_164 = arith.constant 1 : i32
        %add3A_165 = arith.addi %add3A_119, %add3A_164 : i32
        %dma_wait3A_166 = arith.constant 0 : i32
        %dma_wait3A_167 = tpu.memref_slice %arg3[%add3A, %add3A_165, %dma_wait3A_166] : memref<32x148x128xi32, #tpu.memory_space<hbm>> -> memref<1x1x128xi32, #tpu.memory_space<hbm>>
        %dma_wait3A_168 = tpu.memref_squeeze %dma_wait3A_167 : memref<1x1x128xi32, #tpu.memory_space<hbm>> -> memref<128xi32, #tpu.memory_space<hbm>>
        %dma_wait3A_169 = arith.constant 0 : i32
        %dma_wait3A_170 = tpu.memref_slice %arg3[%add3A, %add3A_165, %dma_wait3A_169] : memref<32x148x128xi32, #tpu.memory_space<hbm>> -> memref<1x1x128xi32, #tpu.memory_space<hbm>>
        %dma_wait3A_171 = tpu.memref_squeeze %dma_wait3A_170 : memref<1x1x128xi32, #tpu.memory_space<hbm>> -> memref<128xi32, #tpu.memory_space<hbm>>
        tpu.wait_dma2 semaphore(%arg23 : memref<!tpu.dma_semaphore, #tpu.memory_space<semaphore_mem>>) src(%dma_wait3A_171 : memref<128xi32, #tpu.memory_space<hbm>>) dst(%arg11 : memref<128xi32, #tpu.memory_space<vmem>>)
        %dma_wait3A_172 = arith.constant 0 : i32
        %dma_wait3A_173 = tpu.memref_slice %arg4[%add3A, %add3A_165, %dma_wait3A_172] : memref<32x148x128xi32, #tpu.memory_space<hbm>> -> memref<1x1x128xi32, #tpu.memory_space<hbm>>
        %dma_wait3A_174 = tpu.memref_squeeze %dma_wait3A_173 : memref<1x1x128xi32, #tpu.memory_space<hbm>> -> memref<128xi32, #tpu.memory_space<hbm>>
        %dma_wait3A_175 = arith.constant 0 : i32
        %dma_wait3A_176 = tpu.memref_slice %arg4[%add3A, %add3A_165, %dma_wait3A_175] : memref<32x148x128xi32, #tpu.memory_space<hbm>> -> memref<1x1x128xi32, #tpu.memory_space<hbm>>
        %dma_wait3A_177 = tpu.memref_squeeze %dma_wait3A_176 : memref<1x1x128xi32, #tpu.memory_space<hbm>> -> memref<128xi32, #tpu.memory_space<hbm>>
        tpu.wait_dma2 semaphore(%arg27 : memref<!tpu.dma_semaphore, #tpu.memory_space<semaphore_mem>>) src(%dma_wait3A_177 : memref<128xi32, #tpu.memory_space<hbm>>) dst(%arg15 : memref<128xi32, #tpu.memory_space<vmem>>)
        %dma_start3A_178 = arith.constant 0 : i32
        %dma_start3A_179 = arith.constant 0 : i32
        %dma_start3A_180 = tpu.memref_slice %arg2[%dma_start3A_178, %dma_start3A_179] : memref<50048x8xf32, #tpu.memory_space<hbm>> -> memref<50048x8xf32, #tpu.memory_space<hbm>>
        tpu.enqueue_indirect_dma source(%dma_start3A_180 : memref<50048x8xf32, #tpu.memory_space<hbm>>) target(%arg19 : memref<128x8xf32, #tpu.memory_space<vmem>>) offsets(%arg15 : memref<128xi32, #tpu.memory_space<vmem>>) semaphore(%arg31 : memref<!tpu.dma_semaphore, #tpu.memory_space<semaphore_mem>>)
      } else {
      }
      %add3A_127 = arith.constant 4 : i32
      %add3A_128 = arith.addi %add3A_119, %add3A_127 : i32
      %sub3A_129 = arith.constant 1 : i32
      %sub3A_130 = arith.subi %add3A_128, %sub3A_129 : i32
      %lt3A_131 = arith.constant 148 : i32
      %lt3A_132 = arith.cmpi slt, %sub3A_130, %lt3A_131 : i32
      %convert_element_type3A_133 = arith.extui %lt3A_132 : i1 to i32
      %cond3A_134 = arith.constant 0 : i32
      %cond3A_135 = arith.cmpi ne, %convert_element_type3A_133, %cond3A_134 : i32
      scf.if %cond3A_135 {
        %add3A_164 = arith.constant 4 : i32
        %add3A_165 = arith.addi %add3A_119, %add3A_164 : i32
        %sub3A_166 = arith.constant 1 : i32
        %sub3A_167 = arith.subi %add3A_165, %sub3A_166 : i32
        %dma_start3A_168 = arith.constant 0 : i32
        %dma_start3A_169 = tpu.memref_slice %arg3[%add3A, %sub3A_167, %dma_start3A_168] : memref<32x148x128xi32, #tpu.memory_space<hbm>> -> memref<1x1x128xi32, #tpu.memory_space<hbm>>
        %dma_start3A_170 = tpu.memref_squeeze %dma_start3A_169 : memref<1x1x128xi32, #tpu.memory_space<hbm>> -> memref<128xi32, #tpu.memory_space<hbm>>
        %dma_start3A_171 = arith.constant 0 : i32
        %dma_start3A_172 = tpu.memref_slice %arg3[%add3A, %sub3A_167, %dma_start3A_171] : memref<32x148x128xi32, #tpu.memory_space<hbm>> -> memref<1x1x128xi32, #tpu.memory_space<hbm>>
        %dma_start3A_173 = tpu.memref_squeeze %dma_start3A_172 : memref<1x1x128xi32, #tpu.memory_space<hbm>> -> memref<128xi32, #tpu.memory_space<hbm>>
        tpu.enqueue_dma source(%dma_start3A_173 : memref<128xi32, #tpu.memory_space<hbm>>) target(%arg9 : memref<128xi32, #tpu.memory_space<vmem>>) target_semaphore(%arg21 : memref<!tpu.dma_semaphore, #tpu.memory_space<semaphore_mem>>)
        %dma_start3A_174 = arith.constant 0 : i32
        %dma_start3A_175 = tpu.memref_slice %arg4[%add3A, %sub3A_167, %dma_start3A_174] : memref<32x148x128xi32, #tpu.memory_space<hbm>> -> memref<1x1x128xi32, #tpu.memory_space<hbm>>
        %dma_start3A_176 = tpu.memref_squeeze %dma_start3A_175 : memref<1x1x128xi32, #tpu.memory_space<hbm>> -> memref<128xi32, #tpu.memory_space<hbm>>
        %dma_start3A_177 = arith.constant 0 : i32
        %dma_start3A_178 = tpu.memref_slice %arg4[%add3A, %sub3A_167, %dma_start3A_177] : memref<32x148x128xi32, #tpu.memory_space<hbm>> -> memref<1x1x128xi32, #tpu.memory_space<hbm>>
        %dma_start3A_179 = tpu.memref_squeeze %dma_start3A_178 : memref<1x1x128xi32, #tpu.memory_space<hbm>> -> memref<128xi32, #tpu.memory_space<hbm>>
        tpu.enqueue_dma source(%dma_start3A_179 : memref<128xi32, #tpu.memory_space<hbm>>) target(%arg13 : memref<128xi32, #tpu.memory_space<vmem>>) target_semaphore(%arg25 : memref<!tpu.dma_semaphore, #tpu.memory_space<semaphore_mem>>)
      } else {
      }
      %lt3A_136 = arith.constant 148 : i32
      %lt3A_137 = arith.cmpi slt, %add3A_119, %lt3A_136 : i32
      %convert_element_type3A_138 = arith.extui %lt3A_137 : i1 to i32
      %cond3A_139 = arith.constant 0 : i32
      %cond3A_140 = arith.cmpi ne, %convert_element_type3A_138, %cond3A_139 : i32
      scf.if %cond3A_140 {
        %dma_wait3A_164 = arith.constant 0 : i32
        %dma_wait3A_165 = arith.constant 0 : i32
        %dma_wait3A_166 = tpu.memref_slice %arg2[%dma_wait3A_164, %dma_wait3A_165] : memref<50048x8xf32, #tpu.memory_space<hbm>> -> memref<50048x8xf32, #tpu.memory_space<hbm>>
        tpu.wait_indirect_dma semaphore(%arg30 : memref<!tpu.dma_semaphore, #tpu.memory_space<semaphore_mem>>) src(%dma_wait3A_166 : memref<50048x8xf32, #tpu.memory_space<hbm>>) dst(%arg18 : memref<128x8xf32, #tpu.memory_space<vmem>>)
        "tpu.region"() ({
          %run_scoped3A = tpu.sem_alloc : memref<!tpu.dma_semaphore, #tpu.memory_space<semaphore_mem>>
          %dma_start3A_167 = arith.constant 0 : i32
          %dma_start3A_168 = arith.constant 0 : i32
          %dma_start3A_169 = tpu.memref_slice %arg7[%dma_start3A_167, %dma_start3A_168] : memref<50048x8xf32, #tpu.memory_space<vmem_shared>> -> memref<50048x8xf32, #tpu.memory_space<vmem_shared>>
          tpu.enqueue_indirect_dma source(%arg18 : memref<128x8xf32, #tpu.memory_space<vmem>>) target(%dma_start3A_169 : memref<50048x8xf32, #tpu.memory_space<vmem_shared>>) offsets(%arg10 : memref<128xi32, #tpu.memory_space<vmem>>) semaphore(%run_scoped3A : memref<!tpu.dma_semaphore, #tpu.memory_space<semaphore_mem>>) {add = true}
          %dma_wait3A_170 = arith.constant 0 : i32
          %dma_wait3A_171 = arith.constant 0 : i32
          %dma_wait3A_172 = tpu.memref_slice %arg7[%dma_wait3A_170, %dma_wait3A_171] : memref<50048x8xf32, #tpu.memory_space<vmem_shared>> -> memref<50048x8xf32, #tpu.memory_space<vmem_shared>>
          tpu.wait_indirect_dma semaphore(%run_scoped3A : memref<!tpu.dma_semaphore, #tpu.memory_space<semaphore_mem>>) src(%arg18 : memref<128x8xf32, #tpu.memory_space<vmem>>) dst(%dma_wait3A_172 : memref<50048x8xf32, #tpu.memory_space<vmem_shared>>)
          tpu.yield
        }) : () -> ()
      } else {
      }
      %add3A_141 = arith.constant 3 : i32
      %add3A_142 = arith.addi %add3A_75, %add3A_141 : i32
      %add3A_143 = arith.constant 1 : i32
      %add3A_144 = arith.addi %add3A_142, %add3A_143 : i32
      %lt3A_145 = arith.constant 148 : i32
      %lt3A_146 = arith.cmpi slt, %add3A_144, %lt3A_145 : i32
      %convert_element_type3A_147 = arith.extui %lt3A_146 : i1 to i32
      %cond3A_148 = arith.constant 0 : i32
      %cond3A_149 = arith.cmpi ne, %convert_element_type3A_147, %cond3A_148 : i32
      scf.if %cond3A_149 {
        %add3A_164 = arith.constant 1 : i32
        %add3A_165 = arith.addi %add3A_142, %add3A_164 : i32
        %dma_wait3A_166 = arith.constant 0 : i32
        %dma_wait3A_167 = tpu.memref_slice %arg3[%add3A, %add3A_165, %dma_wait3A_166] : memref<32x148x128xi32, #tpu.memory_space<hbm>> -> memref<1x1x128xi32, #tpu.memory_space<hbm>>
        %dma_wait3A_168 = tpu.memref_squeeze %dma_wait3A_167 : memref<1x1x128xi32, #tpu.memory_space<hbm>> -> memref<128xi32, #tpu.memory_space<hbm>>
        %dma_wait3A_169 = arith.constant 0 : i32
        %dma_wait3A_170 = tpu.memref_slice %arg3[%add3A, %add3A_165, %dma_wait3A_169] : memref<32x148x128xi32, #tpu.memory_space<hbm>> -> memref<1x1x128xi32, #tpu.memory_space<hbm>>
        %dma_wait3A_171 = tpu.memref_squeeze %dma_wait3A_170 : memref<1x1x128xi32, #tpu.memory_space<hbm>> -> memref<128xi32, #tpu.memory_space<hbm>>
        tpu.wait_dma2 semaphore(%arg20 : memref<!tpu.dma_semaphore, #tpu.memory_space<semaphore_mem>>) src(%dma_wait3A_171 : memref<128xi32, #tpu.memory_space<hbm>>) dst(%arg8 : memref<128xi32, #tpu.memory_space<vmem>>)
        %dma_wait3A_172 = arith.constant 0 : i32
        %dma_wait3A_173 = tpu.memref_slice %arg4[%add3A, %add3A_165, %dma_wait3A_172] : memref<32x148x128xi32, #tpu.memory_space<hbm>> -> memref<1x1x128xi32, #tpu.memory_space<hbm>>
        %dma_wait3A_174 = tpu.memref_squeeze %dma_wait3A_173 : memref<1x1x128xi32, #tpu.memory_space<hbm>> -> memref<128xi32, #tpu.memory_space<hbm>>
        %dma_wait3A_175 = arith.constant 0 : i32
        %dma_wait3A_176 = tpu.memref_slice %arg4[%add3A, %add3A_165, %dma_wait3A_175] : memref<32x148x128xi32, #tpu.memory_space<hbm>> -> memref<1x1x128xi32, #tpu.memory_space<hbm>>
        %dma_wait3A_177 = tpu.memref_squeeze %dma_wait3A_176 : memref<1x1x128xi32, #tpu.memory_space<hbm>> -> memref<128xi32, #tpu.memory_space<hbm>>
        tpu.wait_dma2 semaphore(%arg24 : memref<!tpu.dma_semaphore, #tpu.memory_space<semaphore_mem>>) src(%dma_wait3A_177 : memref<128xi32, #tpu.memory_space<hbm>>) dst(%arg12 : memref<128xi32, #tpu.memory_space<vmem>>)
        %dma_start3A_178 = arith.constant 0 : i32
        %dma_start3A_179 = arith.constant 0 : i32
        %dma_start3A_180 = tpu.memref_slice %arg2[%dma_start3A_178, %dma_start3A_179] : memref<50048x8xf32, #tpu.memory_space<hbm>> -> memref<50048x8xf32, #tpu.memory_space<hbm>>
        tpu.enqueue_indirect_dma source(%dma_start3A_180 : memref<50048x8xf32, #tpu.memory_space<hbm>>) target(%arg16 : memref<128x8xf32, #tpu.memory_space<vmem>>) offsets(%arg12 : memref<128xi32, #tpu.memory_space<vmem>>) semaphore(%arg28 : memref<!tpu.dma_semaphore, #tpu.memory_space<semaphore_mem>>)
      } else {
      }
      %add3A_150 = arith.constant 4 : i32
      %add3A_151 = arith.addi %add3A_142, %add3A_150 : i32
      %sub3A_152 = arith.constant 1 : i32
      %sub3A_153 = arith.subi %add3A_151, %sub3A_152 : i32
      %lt3A_154 = arith.constant 148 : i32
      %lt3A_155 = arith.cmpi slt, %sub3A_153, %lt3A_154 : i32
      %convert_element_type3A_156 = arith.extui %lt3A_155 : i1 to i32
      %cond3A_157 = arith.constant 0 : i32
      %cond3A_158 = arith.cmpi ne, %convert_element_type3A_156, %cond3A_157 : i32
      scf.if %cond3A_158 {
        %add3A_164 = arith.constant 4 : i32
        %add3A_165 = arith.addi %add3A_142, %add3A_164 : i32
        %sub3A_166 = arith.constant 1 : i32
        %sub3A_167 = arith.subi %add3A_165, %sub3A_166 : i32
        %dma_start3A_168 = arith.constant 0 : i32
        %dma_start3A_169 = tpu.memref_slice %arg3[%add3A, %sub3A_167, %dma_start3A_168] : memref<32x148x128xi32, #tpu.memory_space<hbm>> -> memref<1x1x128xi32, #tpu.memory_space<hbm>>
        %dma_start3A_170 = tpu.memref_squeeze %dma_start3A_169 : memref<1x1x128xi32, #tpu.memory_space<hbm>> -> memref<128xi32, #tpu.memory_space<hbm>>
        %dma_start3A_171 = arith.constant 0 : i32
        %dma_start3A_172 = tpu.memref_slice %arg3[%add3A, %sub3A_167, %dma_start3A_171] : memref<32x148x128xi32, #tpu.memory_space<hbm>> -> memref<1x1x128xi32, #tpu.memory_space<hbm>>
        %dma_start3A_173 = tpu.memref_squeeze %dma_start3A_172 : memref<1x1x128xi32, #tpu.memory_space<hbm>> -> memref<128xi32, #tpu.memory_space<hbm>>
        tpu.enqueue_dma source(%dma_start3A_173 : memref<128xi32, #tpu.memory_space<hbm>>) target(%arg10 : memref<128xi32, #tpu.memory_space<vmem>>) target_semaphore(%arg22 : memref<!tpu.dma_semaphore, #tpu.memory_space<semaphore_mem>>)
        %dma_start3A_174 = arith.constant 0 : i32
        %dma_start3A_175 = tpu.memref_slice %arg4[%add3A, %sub3A_167, %dma_start3A_174] : memref<32x148x128xi32, #tpu.memory_space<hbm>> -> memref<1x1x128xi32, #tpu.memory_space<hbm>>
        %dma_start3A_176 = tpu.memref_squeeze %dma_start3A_175 : memref<1x1x128xi32, #tpu.memory_space<hbm>> -> memref<128xi32, #tpu.memory_space<hbm>>
        %dma_start3A_177 = arith.constant 0 : i32
        %dma_start3A_178 = tpu.memref_slice %arg4[%add3A, %sub3A_167, %dma_start3A_177] : memref<32x148x128xi32, #tpu.memory_space<hbm>> -> memref<1x1x128xi32, #tpu.memory_space<hbm>>
        %dma_start3A_179 = tpu.memref_squeeze %dma_start3A_178 : memref<1x1x128xi32, #tpu.memory_space<hbm>> -> memref<128xi32, #tpu.memory_space<hbm>>
        tpu.enqueue_dma source(%dma_start3A_179 : memref<128xi32, #tpu.memory_space<hbm>>) target(%arg14 : memref<128xi32, #tpu.memory_space<vmem>>) target_semaphore(%arg26 : memref<!tpu.dma_semaphore, #tpu.memory_space<semaphore_mem>>)
      } else {
      }
      %lt3A_159 = arith.constant 148 : i32
      %lt3A_160 = arith.cmpi slt, %add3A_142, %lt3A_159 : i32
      %convert_element_type3A_161 = arith.extui %lt3A_160 : i1 to i32
      %cond3A_162 = arith.constant 0 : i32
      %cond3A_163 = arith.cmpi ne, %convert_element_type3A_161, %cond3A_162 : i32
      scf.if %cond3A_163 {
        %dma_wait3A_164 = arith.constant 0 : i32
        %dma_wait3A_165 = arith.constant 0 : i32
        %dma_wait3A_166 = tpu.memref_slice %arg2[%dma_wait3A_164, %dma_wait3A_165] : memref<50048x8xf32, #tpu.memory_space<hbm>> -> memref<50048x8xf32, #tpu.memory_space<hbm>>
        tpu.wait_indirect_dma semaphore(%arg31 : memref<!tpu.dma_semaphore, #tpu.memory_space<semaphore_mem>>) src(%dma_wait3A_166 : memref<50048x8xf32, #tpu.memory_space<hbm>>) dst(%arg19 : memref<128x8xf32, #tpu.memory_space<vmem>>)
        "tpu.region"() ({
          %run_scoped3A = tpu.sem_alloc : memref<!tpu.dma_semaphore, #tpu.memory_space<semaphore_mem>>
          %dma_start3A_167 = arith.constant 0 : i32
          %dma_start3A_168 = arith.constant 0 : i32
          %dma_start3A_169 = tpu.memref_slice %arg7[%dma_start3A_167, %dma_start3A_168] : memref<50048x8xf32, #tpu.memory_space<vmem_shared>> -> memref<50048x8xf32, #tpu.memory_space<vmem_shared>>
          tpu.enqueue_indirect_dma source(%arg19 : memref<128x8xf32, #tpu.memory_space<vmem>>) target(%dma_start3A_169 : memref<50048x8xf32, #tpu.memory_space<vmem_shared>>) offsets(%arg11 : memref<128xi32, #tpu.memory_space<vmem>>) semaphore(%run_scoped3A : memref<!tpu.dma_semaphore, #tpu.memory_space<semaphore_mem>>) {add = true}
          %dma_wait3A_170 = arith.constant 0 : i32
          %dma_wait3A_171 = arith.constant 0 : i32
          %dma_wait3A_172 = tpu.memref_slice %arg7[%dma_wait3A_170, %dma_wait3A_171] : memref<50048x8xf32, #tpu.memory_space<vmem_shared>> -> memref<50048x8xf32, #tpu.memory_space<vmem_shared>>
          tpu.wait_indirect_dma semaphore(%run_scoped3A : memref<!tpu.dma_semaphore, #tpu.memory_space<semaphore_mem>>) src(%arg19 : memref<128x8xf32, #tpu.memory_space<vmem>>) dst(%dma_wait3A_172 : memref<50048x8xf32, #tpu.memory_space<vmem_shared>>)
          tpu.yield
        }) : () -> ()
      } else {
      }
    }
    %scan3A_65 = arith.constant 37 : i32
    %barrier3A_66 = arith.constant 0 : index
    tpu.barrier barrier_id(%barrier3A_66)
    %mul3A_67 = arith.constant 3128 : i32
    %mul3A_68 = arith.muli %arg1, %mul3A_67 : i32
    %mul3A_69 = arith.constant 3128 : i32
    %mul3A_70 = arith.muli %arg1, %mul3A_69 : i32
    "tpu.region"() ({
      %run_scoped3A = tpu.sem_alloc : memref<!tpu.dma_semaphore, #tpu.memory_space<semaphore_mem>>
      %dma_start3A_71 = arith.constant 0 : i32
      %dma_start3A_72 = tpu.memref_slice %arg6[%arg0, %mul3A_70, %dma_start3A_71] : memref<2x50048x8xf32, #tpu.memory_space<hbm>> -> memref<1x3128x8xf32, #tpu.memory_space<hbm>>
      %dma_start3A_73 = tpu.memref_squeeze %dma_start3A_72 : memref<1x3128x8xf32, #tpu.memory_space<hbm>> -> memref<3128x8xf32, #tpu.memory_space<hbm>>
      %dma_start3A_74 = arith.constant 0 : i32
      %dma_start3A_75 = tpu.memref_slice %arg7[%mul3A_68, %dma_start3A_74] : memref<50048x8xf32, #tpu.memory_space<vmem_shared>> -> memref<3128x8xf32, #tpu.memory_space<vmem_shared>>
      tpu.enqueue_dma source(%dma_start3A_75 : memref<3128x8xf32, #tpu.memory_space<vmem_shared>>) target(%dma_start3A_73 : memref<3128x8xf32, #tpu.memory_space<hbm>>) target_semaphore(%run_scoped3A : memref<!tpu.dma_semaphore, #tpu.memory_space<semaphore_mem>>)
      %dma_wait3A_76 = arith.constant 0 : i32
      %dma_wait3A_77 = tpu.memref_slice %arg6[%arg0, %mul3A_70, %dma_wait3A_76] : memref<2x50048x8xf32, #tpu.memory_space<hbm>> -> memref<1x3128x8xf32, #tpu.memory_space<hbm>>
      %dma_wait3A_78 = tpu.memref_squeeze %dma_wait3A_77 : memref<1x3128x8xf32, #tpu.memory_space<hbm>> -> memref<3128x8xf32, #tpu.memory_space<hbm>>
      %dma_wait3A_79 = arith.constant 0 : i32
      %dma_wait3A_80 = tpu.memref_slice %arg7[%mul3A_68, %dma_wait3A_79] : memref<50048x8xf32, #tpu.memory_space<vmem_shared>> -> memref<3128x8xf32, #tpu.memory_space<vmem_shared>>
      tpu.wait_dma2 semaphore(%run_scoped3A : memref<!tpu.dma_semaphore, #tpu.memory_space<semaphore_mem>>) src(%dma_wait3A_80 : memref<3128x8xf32, #tpu.memory_space<vmem_shared>>) dst(%dma_wait3A_78 : memref<3128x8xf32, #tpu.memory_space<hbm>>)
      tpu.yield
    }) : () -> ()
    return
  }
}

module attributes {stable_mosaic.version = 14 : i64} {
  func.func @_tc_reduce(%arg0: memref<2x3128x128xf32, #tpu.memory_space<vmem>>, %arg1: memref<3128x128xf32, #tpu.memory_space<vmem>>, %arg2: memref<1x1xf32, #tpu.memory_space<vmem>>) attributes {dimension_semantics = [], scalar_prefetch = 0 : i64, scratch_operands = 0 : i64, tpu.core_type = #tpu.core_type<tc>} {
    %get3A = arith.constant 0 : index
    %get3A_0 = arith.constant 0 : index
    %get3A_1 = arith.constant 0 : index
    %get3A_2 = vector.load %arg0[%get3A, %get3A_0, %get3A_1] : memref<2x3128x128xf32, #tpu.memory_space<vmem>>, vector<1x3128x128xf32>
    %get3A_3 = vector.shape_cast %get3A_2 : vector<1x3128x128xf32> to vector<3128x128xf32>
    %get3A_4 = arith.constant 1 : index
    %get3A_5 = arith.constant 0 : index
    %get3A_6 = arith.constant 0 : index
    %get3A_7 = vector.load %arg0[%get3A_4, %get3A_5, %get3A_6] : memref<2x3128x128xf32, #tpu.memory_space<vmem>>, vector<1x3128x128xf32>
    %get3A_8 = vector.shape_cast %get3A_7 : vector<1x3128x128xf32> to vector<3128x128xf32>
    %add3A = arith.addf %get3A_3, %get3A_8 : vector<3128x128xf32>
    %iota3A = tpu.iota {dimensions = array<i32: 0>} : vector<128x128xi32>
    %iota3A_9 = tpu.iota {dimensions = array<i32: 1>} : vector<128x128xi32>
    %jit3A = arith.constant 8 : i32
    %div3A = vector.broadcast %jit3A : i32 to vector<128x128xi32>
    %div3A_10 = arith.divsi %iota3A, %div3A : vector<128x128xi32>
    %sign3A = arith.constant 0 : i32
    %sign3A_11 = vector.broadcast %sign3A : i32 to vector<128x128xi32>
    %sign3A_12 = arith.cmpi sgt, %iota3A, %sign3A_11 : vector<128x128xi32>
    %sign3A_13 = arith.extui %sign3A_12 : vector<128x128xi1> to vector<128x128xi32>
    %sign3A_14 = arith.constant 0 : i32
    %sign3A_15 = vector.broadcast %sign3A_14 : i32 to vector<128x128xi32>
    %sign3A_16 = arith.cmpi slt, %iota3A, %sign3A_15 : vector<128x128xi32>
    %sign3A_17 = arith.extui %sign3A_16 : vector<128x128xi1> to vector<128x128xi32>
    %sign3A_18 = arith.subi %sign3A_13, %sign3A_17 : vector<128x128xi32>
    %sign3A_19 = arith.constant 0 : i32
    %sign3A_20 = arith.cmpi sgt, %jit3A, %sign3A_19 : i32
    %sign3A_21 = arith.extui %sign3A_20 : i1 to i32
    %sign3A_22 = arith.constant 0 : i32
    %sign3A_23 = arith.cmpi slt, %jit3A, %sign3A_22 : i32
    %sign3A_24 = arith.extui %sign3A_23 : i1 to i32
    %sign3A_25 = arith.subi %sign3A_21, %sign3A_24 : i32
    %ne3A = vector.broadcast %sign3A_25 : i32 to vector<128x128xi32>
    %ne3A_26 = arith.cmpi ne, %sign3A_18, %ne3A : vector<128x128xi32>
    %rem3A = vector.broadcast %jit3A : i32 to vector<128x128xi32>
    %rem3A_27 = arith.remsi %iota3A, %rem3A : vector<128x128xi32>
    %ne3A_28 = arith.constant 0 : i32
    %ne3A_29 = vector.broadcast %ne3A_28 : i32 to vector<128x128xi32>
    %ne3A_30 = arith.cmpi ne, %rem3A_27, %ne3A_29 : vector<128x128xi32>
    %and3A = arith.andi %ne3A_26, %ne3A_30 : vector<128x128xi1>
    %sub3A = arith.constant 1 : i32
    %sub3A_31 = vector.broadcast %sub3A : i32 to vector<128x128xi32>
    %sub3A_32 = arith.subi %div3A_10, %sub3A_31 : vector<128x128xi32>
    %select_n3A = arith.select %and3A, %sub3A_32, %div3A_10 : vector<128x128xi1>, vector<128x128xi32>
    %jit3A_33 = arith.constant 8 : i32
    %div3A_34 = vector.broadcast %jit3A_33 : i32 to vector<128x128xi32>
    %div3A_35 = arith.divsi %iota3A_9, %div3A_34 : vector<128x128xi32>
    %sign3A_36 = arith.constant 0 : i32
    %sign3A_37 = vector.broadcast %sign3A_36 : i32 to vector<128x128xi32>
    %sign3A_38 = arith.cmpi sgt, %iota3A_9, %sign3A_37 : vector<128x128xi32>
    %sign3A_39 = arith.extui %sign3A_38 : vector<128x128xi1> to vector<128x128xi32>
    %sign3A_40 = arith.constant 0 : i32
    %sign3A_41 = vector.broadcast %sign3A_40 : i32 to vector<128x128xi32>
    %sign3A_42 = arith.cmpi slt, %iota3A_9, %sign3A_41 : vector<128x128xi32>
    %sign3A_43 = arith.extui %sign3A_42 : vector<128x128xi1> to vector<128x128xi32>
    %sign3A_44 = arith.subi %sign3A_39, %sign3A_43 : vector<128x128xi32>
    %sign3A_45 = arith.constant 0 : i32
    %sign3A_46 = arith.cmpi sgt, %jit3A_33, %sign3A_45 : i32
    %sign3A_47 = arith.extui %sign3A_46 : i1 to i32
    %sign3A_48 = arith.constant 0 : i32
    %sign3A_49 = arith.cmpi slt, %jit3A_33, %sign3A_48 : i32
    %sign3A_50 = arith.extui %sign3A_49 : i1 to i32
    %sign3A_51 = arith.subi %sign3A_47, %sign3A_50 : i32
    %ne3A_52 = vector.broadcast %sign3A_51 : i32 to vector<128x128xi32>
    %ne3A_53 = arith.cmpi ne, %sign3A_44, %ne3A_52 : vector<128x128xi32>
    %rem3A_54 = vector.broadcast %jit3A_33 : i32 to vector<128x128xi32>
    %rem3A_55 = arith.remsi %iota3A_9, %rem3A_54 : vector<128x128xi32>
    %ne3A_56 = arith.constant 0 : i32
    %ne3A_57 = vector.broadcast %ne3A_56 : i32 to vector<128x128xi32>
    %ne3A_58 = arith.cmpi ne, %rem3A_55, %ne3A_57 : vector<128x128xi32>
    %and3A_59 = arith.andi %ne3A_53, %ne3A_58 : vector<128x128xi1>
    %sub3A_60 = arith.constant 1 : i32
    %sub3A_61 = vector.broadcast %sub3A_60 : i32 to vector<128x128xi32>
    %sub3A_62 = arith.subi %div3A_35, %sub3A_61 : vector<128x128xi32>
    %select_n3A_63 = arith.select %and3A_59, %sub3A_62, %div3A_35 : vector<128x128xi1>, vector<128x128xi32>
    %eq3A = arith.cmpi eq, %select_n3A, %select_n3A_63 : vector<128x128xi32>
    %jit3A_64 = arith.constant 8 : i32
    %eq3A_65 = arith.constant 0 : i32
    %eq3A_66 = arith.cmpi eq, %jit3A_64, %eq3A_65 : i32
    %jit3A_67 = arith.constant 1 : i32
    %select_n3A_68 = arith.select %eq3A_66, %jit3A_67, %jit3A_64 : i32
    %rem3A_69 = vector.broadcast %select_n3A_68 : i32 to vector<128x128xi32>
    %rem3A_70 = arith.remsi %iota3A, %rem3A_69 : vector<128x128xi32>
    %ne3A_71 = arith.constant 0 : i32
    %ne3A_72 = vector.broadcast %ne3A_71 : i32 to vector<128x128xi32>
    %ne3A_73 = arith.cmpi ne, %rem3A_70, %ne3A_72 : vector<128x128xi32>
    %lt3A = arith.constant 0 : i32
    %lt3A_74 = vector.broadcast %lt3A : i32 to vector<128x128xi32>
    %lt3A_75 = arith.cmpi slt, %rem3A_70, %lt3A_74 : vector<128x128xi32>
    %lt3A_76 = arith.constant 0 : i32
    %lt3A_77 = arith.cmpi slt, %select_n3A_68, %lt3A_76 : i32
    %ne3A_78 = vector.broadcast %lt3A_77 : i1 to vector<128x128xi1>
    %ne3A_79 = vector.broadcast %ne3A_78 : vector<128x128xi1> to vector<128x128xi1>
    %ne3A_80 = arith.xori %lt3A_75, %ne3A_79 : vector<128x128xi1>
    %and3A_81 = arith.andi %ne3A_80, %ne3A_73 : vector<128x128xi1>
    %add3A_82 = vector.broadcast %select_n3A_68 : i32 to vector<128x128xi32>
    %add3A_83 = arith.addi %rem3A_70, %add3A_82 : vector<128x128xi32>
    %select_n3A_84 = arith.select %and3A_81, %add3A_83, %rem3A_70 : vector<128x128xi1>, vector<128x128xi32>
    %eq3A_85 = arith.constant 3 : i32
    %eq3A_86 = vector.broadcast %eq3A_85 : i32 to vector<128x128xi32>
    %eq3A_87 = arith.cmpi eq, %select_n3A_84, %eq3A_86 : vector<128x128xi32>
    %and3A_88 = arith.andi %eq3A, %eq3A_87 : vector<128x128xi1>
    %jit3A_89 = arith.constant 1.000000e+00 : f32
    %jit3A_90 = arith.constant 0.000000e+00 : f32
    %broadcast_in_dim3A = vector.broadcast %jit3A_89 : f32 to vector<128x128xf32>
    %broadcast_in_dim3A_91 = vector.broadcast %jit3A_90 : f32 to vector<128x128xf32>
    %select_n3A_92 = arith.select %and3A_88, %broadcast_in_dim3A, %broadcast_in_dim3A_91 : vector<128x128xi1>, vector<128x128xf32>
    %dot_general3A = arith.constant dense<0.000000e+00> : vector<3128x128xf32>
    %dot_general3A_93 = tpu.matmul %add3A, %select_n3A_92, %dot_general3A {dimension_numbers = #tpu.dot_dimension_numbers<[1], [0], [0], [1], [0, 0, 1, 1], [], []>, transpose_lhs_hint = false} : vector<3128x128xf32>, vector<128x128xf32>, vector<3128x128xf32> -> vector<3128x128xf32>
    %get3A_94 = arith.constant 0 : index
    %get3A_95 = arith.constant 0 : index
    %get3A_96 = vector.load %arg1[%get3A_94, %get3A_95] : memref<3128x128xf32, #tpu.memory_space<vmem>>, vector<3128x128xf32>
    %mul3A = arith.mulf %dot_general3A_93, %get3A_96 : vector<3128x128xf32>
    %sub3A_97 = arith.subf %mul3A, %add3A : vector<3128x128xf32>
    %iota3A_98 = tpu.iota {dimensions = array<i32: 0>} : vector<3128x128xi32>
    %iota3A_99 = tpu.iota {dimensions = array<i32: 1>} : vector<3128x128xi32>
    %mul3A_100 = arith.constant 128 : i32
    %mul3A_101 = vector.broadcast %mul3A_100 : i32 to vector<3128x128xi32>
    %mul3A_102 = arith.muli %iota3A_98, %mul3A_101 : vector<3128x128xi32>
    %add3A_103 = arith.addi %mul3A_102, %iota3A_99 : vector<3128x128xi32>
    %jit3A_104 = arith.constant 8 : i32
    %div3A_105 = vector.broadcast %jit3A_104 : i32 to vector<3128x128xi32>
    %div3A_106 = arith.divsi %add3A_103, %div3A_105 : vector<3128x128xi32>
    %sign3A_107 = arith.constant 0 : i32
    %sign3A_108 = vector.broadcast %sign3A_107 : i32 to vector<3128x128xi32>
    %sign3A_109 = arith.cmpi sgt, %add3A_103, %sign3A_108 : vector<3128x128xi32>
    %sign3A_110 = arith.extui %sign3A_109 : vector<3128x128xi1> to vector<3128x128xi32>
    %sign3A_111 = arith.constant 0 : i32
    %sign3A_112 = vector.broadcast %sign3A_111 : i32 to vector<3128x128xi32>
    %sign3A_113 = arith.cmpi slt, %add3A_103, %sign3A_112 : vector<3128x128xi32>
    %sign3A_114 = arith.extui %sign3A_113 : vector<3128x128xi1> to vector<3128x128xi32>
    %sign3A_115 = arith.subi %sign3A_110, %sign3A_114 : vector<3128x128xi32>
    %sign3A_116 = arith.constant 0 : i32
    %sign3A_117 = arith.cmpi sgt, %jit3A_104, %sign3A_116 : i32
    %sign3A_118 = arith.extui %sign3A_117 : i1 to i32
    %sign3A_119 = arith.constant 0 : i32
    %sign3A_120 = arith.cmpi slt, %jit3A_104, %sign3A_119 : i32
    %sign3A_121 = arith.extui %sign3A_120 : i1 to i32
    %sign3A_122 = arith.subi %sign3A_118, %sign3A_121 : i32
    %ne3A_123 = vector.broadcast %sign3A_122 : i32 to vector<3128x128xi32>
    %ne3A_124 = arith.cmpi ne, %sign3A_115, %ne3A_123 : vector<3128x128xi32>
    %rem3A_125 = vector.broadcast %jit3A_104 : i32 to vector<3128x128xi32>
    %rem3A_126 = arith.remsi %add3A_103, %rem3A_125 : vector<3128x128xi32>
    %ne3A_127 = arith.constant 0 : i32
    %ne3A_128 = vector.broadcast %ne3A_127 : i32 to vector<3128x128xi32>
    %ne3A_129 = arith.cmpi ne, %rem3A_126, %ne3A_128 : vector<3128x128xi32>
    %and3A_130 = arith.andi %ne3A_124, %ne3A_129 : vector<3128x128xi1>
    %sub3A_131 = arith.constant 1 : i32
    %sub3A_132 = vector.broadcast %sub3A_131 : i32 to vector<3128x128xi32>
    %sub3A_133 = arith.subi %div3A_106, %sub3A_132 : vector<3128x128xi32>
    %select_n3A_134 = arith.select %and3A_130, %sub3A_133, %div3A_106 : vector<3128x128xi1>, vector<3128x128xi32>
    %lt3A_135 = arith.constant 50000 : i32
    %lt3A_136 = vector.broadcast %lt3A_135 : i32 to vector<3128x128xi32>
    %lt3A_137 = arith.cmpi slt, %select_n3A_134, %lt3A_136 : vector<3128x128xi32>
    %jit3A_138 = arith.constant 0.000000e+00 : f32
    %broadcast_in_dim3A_139 = vector.broadcast %jit3A_138 : f32 to vector<3128x128xf32>
    %select_n3A_140 = arith.select %lt3A_137, %sub3A_97, %broadcast_in_dim3A_139 : vector<3128x128xi1>, vector<3128x128xf32>
    %mul3A_141 = arith.mulf %select_n3A_140, %select_n3A_140 : vector<3128x128xf32>
    %reduce_sum3A = vector.shape_cast %mul3A_141 : vector<3128x128xf32> to vector<1x3128x128xf32>
    %reduce_sum3A_142 = arith.constant dense<0.000000e+00> : vector<1xf32>
    %reduce_sum3A_143 = vector.multi_reduction <add>, %reduce_sum3A, %reduce_sum3A_142 [1, 2] : vector<1x3128x128xf32> to vector<1xf32>
    %reduce_sum3A_144 = vector.shape_cast %reduce_sum3A_143 : vector<1xf32> to vector<1x1x1xf32>
    %reduce_sum3A_145 = vector.extract %reduce_sum3A_144[0, 0, 0] : f32 from vector<1x1x1xf32>
    %sqrt3A = math.sqrt %reduce_sum3A_145 : f32
    %reshape3A = vector.broadcast %sqrt3A : f32 to vector<1x1xf32>
    %swap3A = arith.constant 0 : index
    %swap3A_146 = arith.constant 0 : index
    %swap3A_147 = vector.load %arg2[%swap3A, %swap3A_146] : memref<1x1xf32, #tpu.memory_space<vmem>>, vector<1x1xf32>
    tpu.vector_store %arg2[%swap3A, %swap3A_146], %reshape3A {strides = array<i32>} : memref<1x1xf32, #tpu.memory_space<vmem>>, vector<1x1xf32>,
    return
  }
}

</mosaic_0001>

<sc_bundles>
// kernel: kernel.4.cloned.1.call-start
scs
__scs_entry_jumppad:
0x0: {  	(pc) =	sbr.rel $0x88, $3  }
0x1: {  	(tag) =	ssettag $0x0;
	lr =	simm.s32 $0x1  }
0x2: {  	[smem:$0x3F9F] =	sst lr;
	_ =	strace $0xD0000000  }
0x3: {  	_ = 	snop  }
0x4: {  	_ = 	snop  }
0x5: {  	_ = 	snop  }
0x6: {  	_ = 	snop  }
0x7: {  	_ = 	snop  }
__scs_overlays_trampoline_lowered:
0x8: {  	[smem:$0x3FAE] =	sst s0  }
0x9: {  	[smem:$0x3FAF] =	sst s1  }
0xa: {  	[smem:$0x3FB0] =	sst s2  }
0xb: {  	[smem:$0x3FB1] =	sst s3  }
0xc: {  	[smem:$0x3FB2] =	sst s4  }
0xd: {  	[smem:$0x3FB3] =	sst s5  }
0xe: {  	[smem:$0x3FB4] =	sst s6  }
0xf: {  	[smem:$0x3FB5] =	sst s7  }
0x10: {  	[smem:$0x3FB6] =	sst s8  }
0x11: {  	[smem:$0x3FB7] =	sst s9;
	s0 =	simm.s32 @!p0 $0x0  }
0x12: {  	s1 =	sld [smem:$0x3F9D];
	s0 =	simm.s32 @p0 $0x1  }
0x13: {  	[smem:$0x3FB8] =	sst s0;
	s0 =	simm.s32 @!p1 $0x0  }
0x14: {  	s2 =	sld [smem:$0x3F9C];
	s0 =	simm.s32 @p1 $0x1  }
0x15: {  	[smem:$0x3FB9] =	sst s0;
	s0 =	simm.s32 @!p2 $0x0  }
0x16: {  	s3 =	sld [smem:$0x3FDB];
	s0 =	simm.s32 @p2 $0x1  }
0x17: {  	s4 =	simm.s32 $0x1BF5;
	[smem:$0x3FBB] =	sst s0  }
0x18: {  	s0 =	sld [smem:$0x3F9E];
	_ =	swait.ge [sflag:s4], $0x0  }
0x19: {  	s7 =	sld [smem:$0x3F9F]  }
0x1a: {  	s8 =	sadd.s32 $0xFFFFE003, lr  }
0x1b: {  	s9 =	sadd.s32 $0xFFFFFEF7, lr;
	s5 =	simm.s32 $0xFFFFFFFF;
	p2 =	slt.u32 s8, $0xFFFFF086  }
0x1c: {  	p1 =	slt.u32 s9, $0xF7A;
	s5 =	simm.s32 @!p2 $0x0  }
0x1d: {  	s5 =	simm.s32 @p1 $0x1;
	p0 =	seq.s32 s7, s2  }
0x1e: {  	s7 =	smul.u32 @!p0 $0xF7A, s2;
	p2 =	seq.s32 @!p0 s5, $0x0  }
0x1f: {  	s9 =	smul.u32 $0xF7A, s1;
	s8 =	simm.s32 @!p0 $0x1BF5;
	p2 =	por !p2, p0  }
0x20: {  	[sflag:s8] =	ssyncset.s32 @!p0 $0xFFFFF086;
	s6 =	sadd.s32 @!p0 s3, s7;
	s7 =	simm.s32 @!p0 $0x108  }
0x21: {  	s3 =	sadd.s32 s3, s9;
	s6 =	sadd.s32 @!p0 $0x88, s6;
	s7 =	simm.s32 @p2 $0x1082  }
0x22: {  	[simem:s7], [sflag:s8] =	dma.local @!p0 [hbm:s6], $0xF7A  }
0x23: {  	s9 =	sor.u32 $0xD0000000, s2;
	s6 =	simm.s32 $0x108;
	_ =	swait.ge @!p0 [sflag:s8], $0x0  }
0x24: {  	s3 =	sadd.s32 $0x88, s3;
	s6 =	simm.s32 @!p1 $0x1082;
	[sflag:s4] =	ssyncset.s32 $0xFFFFF086  }
0x25: {  	[simem:s6], [sflag:s4] =	dma.local [hbm:s3], $0xF7A  }
0x26: {  	[smem:$0x3F9F] =	sst s1;
	(tag) =	ssettag s2;
	_ =	strace s9  }
0x27: {  	s1 =	sld [smem:$0x3FAF]  }
0x28: {  	s2 =	sld [smem:$0x3FB0]  }
0x29: {  	s4 =	sld [smem:$0x3FB2]  }
0x2a: {  	p0 =	seq.s32 s5, $0x0;
	s5 =	sld [smem:$0x3FB3]  }
0x2b: {  	s6 =	sld [smem:$0x3FB4]  }
0x2c: {  	s7 =	sld [smem:$0x3FB5]  }
0x2d: {  	s3 =	simm.s32 $0x108;
	s8 =	sld [smem:$0x3FB6]  }
0x2e: {  	s3 =	simm.s32 @!p0 $0x1082;
	s9 =	sld [smem:$0x3FB7]  }
0x2f: {  	lr =	sadd.s32 s0, s3;
	s0 =	sld [smem:$0x3FAE]  }
0x30: {  	s3 =	sld [smem:$0x3FB1]  }
0x31: {  	[smem:$0x3FBA] =	sst s10  }
0x32: {  	s10 =	sld [smem:$0x3FB8];
	_ =	sdelay $0x3  }
0x33: {  	p0 =	seq.s32 s10, $0x1;
	s10 =	sld [smem:$0x3FBA];
	_ =	sdelay $0x3  }
0x34: {  	[smem:$0x3FBA] =	sst s10  }
0x35: {  	s10 =	sld [smem:$0x3FB9];
	_ =	sdelay $0x3  }
0x36: {  	p1 =	seq.s32 s10, $0x1;
	s10 =	sld [smem:$0x3FBA];
	_ =	sdelay $0x3  }
0x37: {  	[smem:$0x3FBA] =	sst s10  }
0x38: {  	s10 =	sld [smem:$0x3FBB]  }
0x39: {  	_ = 	snop;
	(pc) =	sbr.ind lr, $3  }
0x3a: {  	_ = 	snop  }
0x3b: {  	_ = 	snop  }
0x3c: {  	p2 =	seq.s32 s10, $0x1;
	s10 =	sld [smem:$0x3FBA]  }
0x3d: {  	_ =	shalt  }
0x3e: {  	_ =	shalt  }
0x3f: {  	_ =	shalt  }
0x40: {  	_ =	shalt  }
0x41: {  	_ =	shalt  }
0x42: {  	_ =	shalt  }
0x43: {  	_ =	shalt  }
0x44: {  	_ =	shalt  }
0x45: {  	_ =	shalt  }
0x46: {  	_ =	shalt  }
0x47: {  	_ =	shalt  }
0x48: {  	_ =	shalt  }
0x49: {  	_ =	shalt  }
0x4a: {  	_ =	shalt  }
0x4b: {  	_ =	shalt  }
0x4c: {  	_ =	shalt  }
0x4d: {  	_ =	shalt  }
0x4e: {  	_ =	shalt  }
0x4f: {  	_ =	shalt  }
0x50: {  	_ =	shalt  }
0x51: {  	_ =	shalt  }
0x52: {  	_ =	shalt  }
0x53: {  	_ =	shalt  }
0x54: {  	_ =	shalt  }
0x55: {  	_ =	shalt  }
0x56: {  	_ =	shalt  }
0x57: {  	_ =	shalt  }
0x58: {  	_ =	shalt  }
0x59: {  	_ =	shalt  }
0x5a: {  	_ =	shalt  }
0x5b: {  	_ =	shalt  }
0x5c: {  	_ =	shalt  }
0x5d: {  	_ =	shalt  }
0x5e: {  	_ =	shalt  }
0x5f: {  	_ =	shalt  }
0x60: {  	_ =	shalt  }
0x61: {  	_ =	shalt  }
0x62: {  	_ =	shalt  }
0x63: {  	_ =	shalt  }
0x64: {  	_ =	shalt  }
0x65: {  	_ =	shalt  }
0x66: {  	_ =	shalt  }
0x67: {  	_ =	shalt  }
0x68: {  	_ =	shalt  }
0x69: {  	_ =	shalt  }
0x6a: {  	_ =	shalt  }
0x6b: {  	_ =	shalt  }
0x6c: {  	_ =	shalt  }
0x6d: {  	_ =	shalt  }
0x6e: {  	_ =	shalt  }
0x6f: {  	_ =	shalt  }
0x70: {  	_ =	shalt  }
0x71: {  	_ =	shalt  }
0x72: {  	_ =	shalt  }
0x73: {  	_ =	shalt  }
0x74: {  	_ =	shalt  }
0x75: {  	_ =	shalt  }
0x76: {  	_ =	shalt  }
0x77: {  	_ =	shalt  }
0x78: {  	_ =	shalt  }
0x79: {  	_ =	shalt  }
0x7a: {  	_ =	shalt  }
0x7b: {  	_ =	shalt  }
0x7c: {  	_ =	shalt  }
0x7d: {  	_ =	shalt  }
0x7e: {  	_ =	shalt  }
0x7f: {  	_ =	shalt  }
0x80: {  	_ =	shalt  }
0x81: {  	_ =	shalt  }
0x82: {  	_ =	shalt  }
0x83: {  	_ =	shalt  }
0x84: {  	_ =	shalt  }
0x85: {  	_ =	shalt  }
0x86: {  	_ =	shalt  }
0x87: {  	_ =	shalt  }
.Lfunc_end0:
.L_simem_size_0:
called_computation_lowered:
.L_overlay_start_0:
0x88: {  	s2 =	sld [smem:$0x3FD9]  }
0x89: {  	s3 =	sld [smem:$0x3FFE];
	_ =	sdelay $0x1  }
0x8a: {  	s1 =	srdreg.scid  }
0x8b: {  	s0 =	sand.u32 $0x1, s1  }
0x8c: {  	s16 =	sshll.u32 s0, $0xA;
	s2 =	sadd.s32 s3, s2  }
0x8d: {  	s2 =	sadd.s32 s2, s16  }
0x8e: {  	[smem:$0x3FC6] =	sst s2  }
0x8f: {  	_ = 	snop  }
0x90: {  	(tm) =	ssettm $0x1  }
0x91: {  	s17 =	sld [smem:$0x3FFB];
	_ =	sdelay $0x3  }
0x92: {  	_ =	strace s17  }
0x93: {  	s2 =	sld [smem:$0x3FFC];
	_ =	sdelay $0x3  }
0x94: {  	_ =	strace s2  }
0x95: {  	s2 =	sld [smem:$0x3FFD];
	_ =	sdelay $0x3  }
0x96: {  	_ =	strace s2  }
0x97: {  	_ =	strace $0x8FFFFFFF  }
0x98: {  	s18 =	sld [smem:$0x3FDB];
	_ =	sdelay $0x1  }
0x99: {  	s19 =	simm.s32 $_scs_section_size  }
0x9a: {  	s4 =	simm.s32 $_size__tile_overlayer_lowered;
	s5 =	simm.s32 $_tile_overlayer_lowered  }
0x9b: {  	s22 =	simm.s32 $0x1BFF;
	s21 =	sshll.u32 s5, $0x1;
	s2 =	sadd.s32 s19, s18  }
0x9c: {  	s6 =	simm.s32 $0x0;
	s20 =	sshll.u32 s4, $0x1;
	s4 =	sadd.s32 s21, s2  }
0x9d: {  	[timem:s6], [sflag:s22] =	dma.local [hbm:s4], s20  }
0x9e: {  	_ =	swait.ge [sflag:s22], s20  }
0x9f: {  	s3 =	ssub.s32 $0x0, s20;
	[sflag:s22] =	ssyncset.done $0x0  }
0xa0: {  	[sflag:s22] =	ssyncadd.s32 s3;
	_ =	sdelay $0x1  }
0xa1: {  	s23 =	simm.s32 $0x1B8B  }
0xa2: {  	_ =	swait.ge [sflag:s23], $0x1  }
0xa3: {  	[sflag:s23] =	ssyncset.done $0x0  }
0xa4: {  	s25 =	simm.s32 $0x1B8E;
	s24 =	sld [smem:$0x3FFE];
	[sflag:s23] =	ssyncadd.s32 $0xFFFFFFFF  }
0xa5: {  	s26 =	simm.s32 $execute0_lowered;
	[smem:$0x3FD2] =	sst s25  }
0xa6: {  	s4 =	sshll.u32 s26, $0x1;
	_ =	strace $0x80000046;
	[dreg:$0x1] =	wrdreg $0xFFFFFFFF  }
0xa7: {  	s28 =	simm.s32 $_size_execute0_lowered;
	s2 =	sadd.s32 s2, s4;
	[dreg:$0x0] =	wrdreg $0x0  }
0xa8: {  	s4 =	sshll.u32 s28, $0x1;
	[dreg:$0x2] =	wrdreg s2  }
0xa9: {  	[dreg:$0x3] =	wrdreg s4  }
0xaa: {  	[dreg:$0x4] =	wrdreg $0xC0  }
0xab: {  	_ =	task [dreg:s6], $0x5FFFF  }
0xac: {  	[dreg:$0x1] =	wrdreg $0xFFFFFFFF  }
0xad: {  	[dreg:$0x0] =	wrdreg $0x60  }
0xae: {  	[dreg:$0x2] =	wrdreg s24  }
0xaf: {  	[dreg:$0x3] =	wrdreg $0x0  }
0xb0: {  	[dreg:$0x4] =	wrdreg $0x9  }
0xb1: {  	_ =	task.clear_ibuf [dreg:s6], $0x5FFFF;
	_ =	strace $0x90000046  }
0xb2: {  	s29 =	simm.s32 $0x9;
	_ =	strace $0x80000048  }
0xb3: {  	_ =	swait.ge [sflag:s29], $0x1  }
0xb4: {  	[sflag:s29] =	ssyncadd.s32 $0xFFFFFFFF  }
0xb5: {  	_ =	strace $0x90000048  }
0xb6: {  	_ =	sfence  }
0xb7: {  	s30 =	sld [smem:$0x0];
	_ =	sdelay $0x2  }
0xb8: {  	s31 =	sshll.u32 s1, $0xD;
	s1 =	sshrl.u32 s1, $0x2  }
0xb9: {  	s3 =	sand.u32 $0x4000, s31;
	s1 =	sadd.s32 s1, s30  }
0xba: {  	s0 =	sor.u32 s3, s0;
	s1 =	sshll.u32 s1, $0x11  }
0xbb: {  	s0 =	sor.u32 s1, s0  }
0xbc: {  	s0 =	sadd.s32 $0x8F2B, s0  }
0xbd: {  	[sflag:s0] =	ssyncadd.remote.s32 $0x1  }
0xbe: {  	_ =	sfence.sel $0xFFFF  }
0xbf: {  	[dreg:$0x0] =	wrdreg $0xFFFFFFFF;
	(pc) =	sbr.abs _section_cstart, $3  }
0xc0: {  	[dreg:$0x1] =	wrdreg $0xFFFFFFFF  }
0xc1: {  	_ =	task.clear_ibuf [dreg:s6], $0x2FFFF;
	_ =	strace $0x9FFFFFFF  }
0xc2: {  	(tm) =	ssettm $0x7FFFFFFF  }
0xc3: {  	_ =	shalt  }
tec
execute0_lowered:
.L_overlay_start_1:
0x0: {  	(tag) =	ssettag $0x1  }
0x1: {  	s2 =	rddreg [dreg:$0x0]  }
0x2: {  	s3 =	rddreg [dreg:$0x1];
	s4 =	simm.s32 $0x0  }
0x3: {  	s12 =	stileid.u32;
	s0 =	srdreg.scid;
	s30 =	simm.s32 $0x64C0  }
0x4: {  	s29 =	simm.s32 $0x80;
	s31 =	simm.s32 $0x2;
	[smem:$0x7FF] =	sst s4  }
0x5: {  	s1 =	smul.u32 $0x61C0, s12;
	s0 =	sand.u32 $0x1, s0;
	s5 =	sadd.s32 $0xC400, s2  }
0x6: {  	s6 =	sadd.s32 $0x1EC00, s2;
	s23 =	sshll.u32 s12, $0x6;
	s24 =	smul.u32 $0x4A00, s12  }
0x7: {  	_ =	strace $0x80000047;
	s7 =	smul.u32 $0x61C00, s0;
	s9 =	sshll.u32 s0, $0x4  }
0x8: {  	s10 =	ssub.s32 $0x2, s0;
	s0 =	smul.u32 $0x4A000, s0;
	s18 =	sor.u32 $0x1C0D, s23  }
0x9: {  	s8 =	sshrl.u32 s1, $0x3;
	s9 =	sor.u32 s12, s9;
	s11 =	sshrl.u32 s10, $0x1  }
0xa: {  	[dreg:$0xc] =	wrdreg s18;
	s8 =	sadd.s32 s8, s2;
	s7 =	sadd.s32 s1, s7  }
0xb: {  	s9 =	smul.u32 $0x4A00, s9;
	s10 =	ssub.s32 s10, s11;
	s1 =	sadd.s32 s1, s3  }
0xc: {  	s0 =	sadd.s32 s24, s0;
	s7 =	sshrl.u32 s7, $0x3;
	[dreg:$0xa] =	wrdreg s1  }
0xd: {  	s8 =	sadd.s32 $0x31400, s8;
	s13 =	sadd.s32 $0x300, s0;
	s17 =	sadd.s32 $0x280, s0  }
0xe: {  	s21 =	sor.u32 $0x180, s0;
	s0 =	sadd.s32 $0x200, s0;
	s7 =	sadd.s32 s7, s2  }
0xf: {  	s9 =	sshrl.u32 s9, $0x3;
	[dreg:$0xb] =	wrdreg s8;
	s15 =	sshrl.u32 s13, $0x3  }
0x10: {  	s19 =	sshrl.u32 s17, $0x3;
	s23 =	sshrl.u32 s21, $0x3;
	[dreg:$0x15] =	wrdreg s0  }
0x11: {  	s21 =	simm.s32 $0x65C0;
	s0 =	simm.s32 $0x6;
	s25 =	sadd.s32 s5, s9  }
0x12: {  	s13 =	simm.s32 $0xA;
	s26 =	sadd.s32 s6, s9;
	[dreg:$0xd] =	wrdreg s25  }
0x13: {  	s17 =	simm.s32 $0xC;
	s16 =	sadd.s32 s15, s6;
	[dreg:$0xe] =	wrdreg s26  }
0x14: {  	s28 =	sor.u32 $0x10, s9;
	s20 =	sadd.s32 s19, s6;
	[dreg:$0x3] =	wrdreg s16  }
0x15: {  	s12 =	sor.u32 $0x20, s9;
	s7 =	sadd.s32 $0x3D800, s7;
	[dreg:$0x5] =	wrdreg s20  }
0x16: {  	s22 =	sadd.s32 s19, s5;
	s24 =	sadd.s32 s23, s6;
	[dreg:$0x13] =	wrdreg s7  }
0x17: {  	s19 =	simm.s32 $0xD;
	s11 =	sadd.s32 s5, s28;
	[dreg:$0x6] =	wrdreg s22  }
0x18: {  	s1 =	sadd.s32 s6, s28;
	s14 =	sadd.s32 s5, s12;
	[dreg:$0x7] =	wrdreg s24  }
0x19: {  	s8 =	sadd.s32 s6, s12;
	s25 =	smax.u32 s10, $0x1;
	[dreg:$0xf] =	wrdreg s11  }
0x1a: {  	s26 =	sadd.s32 s23, s5;
	s22 =	simm.s32 $0x61C0;
	[dreg:$0x10] =	wrdreg s1  }
0x1b: {  	s23 =	simm.s32 $0x6440;
	s28 =	simm.s32 $0x6DC0;
	[dreg:$0x11] =	wrdreg s14  }
0x1c: {  	s24 =	simm.s32 $0x6340;
	s7 =	simm.s32 $0x6540;
	[dreg:$0x12] =	wrdreg s8  }
0x1d: {  	s10 =	simm.s32 $0xE;
	s12 =	simm.s32 $0x7;
	[dreg:$0x14] =	wrdreg s25  }
0x1e: {  	s16 =	simm.s32 $0x71C0;
	s20 =	simm.s32 $0x0;
	[dreg:$0x8] =	wrdreg s26  }
0x1f: {  	s1 =	sadd.s32 s15, s5;
	s25 =	simm.s32 $0x6240;
	[dreg:$0x9] =	wrdreg s28  }
0x20: {  	s8 =	simm.s32 $0x9;
	s11 =	simm.s32 $0x3;
	s14 =	simm.s32 $0x4  }
0x21: {  	s15 =	simm.s32 $0x8;
	[dreg:$0x4] =	wrdreg s1;
	s1 =	simm.s32 $0x69C0  }
.LBB2_1:
0x22: {  	[dreg:$0x16] =	wrdreg s20  }
0x23: {  	s9 =	rddreg [dreg:$0xa]  }
0x24: {  	s26 =	rddreg [dreg:$0xb];
	s9 =	sshrl.u32 s9, $0x3  }
0x25: {  	[dreg:$0x17] =	wrdreg s9  }
0x26: {  	[spmem:s9], [sflag:s18] =	dma.local [hbm:s26], $0xC38  }
0x27: {  	_ =	swait.ge [sflag:s19], $0xC38  }
0x28: {  	[sflag:s19] =	ssyncset.done $0x0  }
0x29: {  	s20 =	rddreg [dreg:$0xd];
	[sflag:s19] =	ssyncadd.s32 $0xFFFFF3C8  }
0x2a: {  	[tilespmem:s22], [sflag:$0x1] =	stream.linear.gather [hbm4b:s20+s4], $0x80, $0x38;
	[tilespmem:$0x75C0] =	vst v63  }
0x2b: {  	s18 =	simm.s32 $0x63C0;
	s26 =	rddreg [dreg:$0xe]  }
0x2c: {  	[tilespmem:s18], [sflag:$0x5] =	stream.linear.gather [hbm4b:s26+s4], $0x80, $0x38;
	[tilespmem:$0x75C0] =	vst v63  }
0x2d: {  	s20 =	rddreg [dreg:$0xf]  }
0x2e: {  	[tilespmem:s25], [sflag:$0x2] =	stream.linear.gather [hbm4b:s20+s4], $0x80, $0x38;
	[tilespmem:$0x75C0] =	vst v63  }
0x2f: {  	s26 =	rddreg [dreg:$0x10]  }
0x30: {  	[tilespmem:s23], [sflag:$0x6] =	stream.linear.gather [hbm4b:s26+s4], $0x80, $0x38;
	[tilespmem:$0x75C0] =	vst v63  }
0x31: {  	s20 =	rddreg [dreg:$0x11];
	s26 =	simm.s32 $0x62C0  }
0x32: {  	[tilespmem:s26], [sflag:$0x3] =	stream.linear.gather [hbm4b:s20+s4], $0x80, $0x38;
	[tilespmem:$0x75C0] =	vst v63  }
0x33: {  	s26 =	rddreg [dreg:$0x12]  }
0x34: {  	[tilespmem:s30], [sflag:$0x7] =	stream.linear.gather [hbm4b:s26+s4], $0x80, $0x38;
	[tilespmem:$0x75C0] =	vst v63  }
0x35: {  	s20 =	simm.s32 $0x1;
	[bflag:$0x0] =	sbarrier.arrive $0xFFFF  }
0x36: {  	_ =	swait.ge [sflag:s20], $0x80  }
0x37: {  	[sflag:s20] =	ssyncset.done $0x0  }
0x38: {  	s26 =	simm.s32 $0x5;
	[sflag:s20] =	ssyncadd.s32 $0xFFFFFF80  }
0x39: {  	_ =	swait.ge [sflag:s26], $0x80  }
0x3a: {  	[sflag:s26] =	ssyncset.done $0x0  }
0x3b: {  	[sflag:s26] =	ssyncadd.s32 $0xFFFFFF80  }
0x3c: {  	[tilespmem:s21], [sflag:$0x9] =	stream.indirect.gather [hbm4b:s2+s29], $0x8, s18, s29, $0xb8;
	[tilespmem:$0x75C0] =	vst v63  }
0x3d: {  	_ =	swait.ge [sflag:s31], $0x80  }
0x3e: {  	[sflag:s31] =	ssyncset.done $0x0  }
0x3f: {  	[sflag:s31] =	ssyncadd.s32 $0xFFFFFF80  }
0x40: {  	_ =	swait.ge [sflag:s0], $0x80  }
0x41: {  	[sflag:s0] =	ssyncset.done $0x0  }
0x42: {  	s20 =	rddreg [dreg:$0x8];
	[sflag:s0] =	ssyncadd.s32 $0xFFFFFF80  }
0x43: {  	[tilespmem:s1], [sflag:$0xA] =	stream.indirect.gather [hbm4b:s2+s29], $0x8, s23, s29, $0xb8;
	[tilespmem:$0x75C0] =	vst v63  }
0x44: {  	s26 =	rddreg [dreg:$0x7];
	s9 =	sadd.s32 $0x0, s20  }
0x45: {  	[tilespmem:s24], [sflag:$0x4] =	stream.linear.gather [hbm4b:s9+s4], $0x80, $0x38;
	[tilespmem:$0x75C0] =	vst v63  }
0x46: {  	s20 =	sadd.s32 $0x0, s26  }
0x47: {  	[tilespmem:s7], [sflag:$0x8] =	stream.linear.gather [hbm4b:s20+s4], $0x80, $0x38;
	[tilespmem:$0x75C0] =	vst v63  }
0x48: {  	_ =	swait.ge [sflag:s8], $0x400  }
0x49: {  	[sflag:s8] =	ssyncset.done $0x0  }
0x4a: {  	[sflag:s8] =	ssyncadd.s32 $0xFFFFFC00  }
0x4b: {  	[spmem:s3] =	stream.indirect.scatter.add.f32 [tilespmem:s21], [sflag:$0xE], $0x8, s22, s29, $0xb8;
	[tilespmem:$0x75C0] =	vst v63  }
0x4c: {  	_ =	swait.ge [sflag:s10], $0x400  }
0x4d: {  	[sflag:s10] =	ssyncset.done $0x0  }
0x4e: {  	[sflag:s10] =	ssyncadd.s32 $0xFFFFFC00  }
0x4f: {  	_ =	swait.ge [sflag:s11], $0x80  }
0x50: {  	[sflag:s11] =	ssyncset.done $0x0  }
0x51: {  	[sflag:s11] =	ssyncadd.s32 $0xFFFFFF80  }
0x52: {  	_ =	swait.ge [sflag:s12], $0x80  }
0x53: {  	p0 =	por $0x0, $0x0;
	[sflag:s12] =	ssyncset.done $0x0;
	s18 =	rddreg [dreg:$0x15]  }
0x54: {  	s26 =	rddreg [dreg:$0x9];
	[sflag:s12] =	ssyncadd.s32 $0xFFFFFF80;
	s18 =	sshrl.u32 @!p0 s18, $0x3  }
0x55: {  	[tilespmem:s26], [sflag:$0xB] =	stream.indirect.gather [hbm4b:s2+s29], $0x8, s30, s29, $0xb8;
	[tilespmem:$0x75C0] =	vst v63  }
0x56: {  	s9 =	simm.s32 @!p0 $0x0;
	s21 =	simm.s32 @!p0 $0x61C0;
	s26 =	sadd.s32 @!p0 s5, s18  }
0x57: {  	[tilespmem:s21], [sflag:$0x1] =	stream.linear.gather @!p0 [hbm4b:s26+s9], $0x80, $0x38;
	[tilespmem:$0x75C0] =	vst v63  }
0x58: {  	s18 =	sadd.s32 @!p0 s6, s18;
	s21 =	simm.s32 @!p0 $0x63C0  }
0x59: {  	[tilespmem:s21], [sflag:$0x5] =	stream.linear.gather @!p0 [hbm4b:s18+s9], $0x80, $0x38;
	[tilespmem:$0x75C0] =	vst v63  }
0x5a: {  	_ =	swait.ge [sflag:s13], $0x400  }
0x5b: {  	[sflag:s13] =	ssyncset.done $0x0  }
0x5c: {  	[sflag:s13] =	ssyncadd.s32 $0xFFFFFC00  }
0x5d: {  	[spmem:s3] =	stream.indirect.scatter.add.f32 [tilespmem:s1], [sflag:$0xE], $0x8, s25, s29, $0xb8;
	[tilespmem:$0x75C0] =	vst v63  }
0x5e: {  	_ =	swait.ge [sflag:s10], $0x400  }
0x5f: {  	[sflag:s10] =	ssyncset.done $0x0  }
0x60: {  	[sflag:s10] =	ssyncadd.s32 $0xFFFFFC00  }
0x61: {  	_ =	swait.ge [sflag:s14], $0x80  }
0x62: {  	[sflag:s14] =	ssyncset.done $0x0  }
0x63: {  	[sflag:s14] =	ssyncadd.s32 $0xFFFFFF80  }
0x64: {  	_ =	swait.ge [sflag:s15], $0x80  }
0x65: {  	[sflag:s15] =	ssyncset.done $0x0  }
0x66: {  	s18 =	simm.s32 @p0 $0xB;
	[sflag:s15] =	ssyncadd.s32 $0xFFFFFF80  }
0x67: {  	[tilespmem:s16], [sflag:$0xC] =	stream.indirect.gather [hbm4b:s2+s29], $0x8, s7, s29, $0xb8;
	[tilespmem:$0x75C0] =	vst v63  }
0x68: {  	_ =	swait.ge @p0 [sflag:s18], $0x400  }
0x69: {  	s28 =	simm.s32 @p0 $0x80;
	s26 =	simm.s32 @p0 $0x6DC0;
	[sflag:s18] =	ssyncset.done @p0 $0x0  }
0x6a: {  	s21 =	simm.s32 @p0 $0x62C0;
	[sflag:s18] =	ssyncadd.s32 @p0 $0xFFFFFC00;
	s18 =	simm.s32 @p0 $0xE  }
0x6b: {  	[spmem:s3] =	stream.indirect.scatter.add.f32 @p0 [tilespmem:s26], [sflag:$0xE], $0x8, s21, s28, $0xb8;
	[tilespmem:$0x75C0] =	vst v63  }
0x6c: {  	_ =	swait.ge @p0 [sflag:s18], $0x400  }
0x6d: {  	s21 =	rddreg [dreg:$0x6]  }
0x6e: {  	[sflag:s18] =	ssyncset.done @p0 $0x0;
	s26 =	rddreg [dreg:$0x5]  }
0x6f: {  	[sflag:s18] =	ssyncadd.s32 @p0 $0xFFFFFC00;
	s18 =	sadd.s32 @!p0 $0x0, s21;
	s21 =	simm.s32 @!p0 $0x6240  }
0x70: {  	[tilespmem:s21], [sflag:$0x2] =	stream.linear.gather @!p0 [hbm4b:s18+s9], $0x80, $0x38;
	[tilespmem:$0x75C0] =	vst v63  }
0x71: {  	s18 =	simm.s32 @!p0 $0x6440;
	s21 =	sadd.s32 @!p0 $0x0, s26;
	s26 =	simm.s32 @!p0 $0xB  }
0x72: {  	[tilespmem:s18], [sflag:$0x6] =	stream.linear.gather @!p0 [hbm4b:s21+s9], $0x80, $0x38;
	[tilespmem:$0x75C0] =	vst v63  }
0x73: {  	_ =	swait.ge @!p0 [sflag:s26], $0x400  }
0x74: {  	s28 =	simm.s32 @!p0 $0xE;
	s18 =	simm.s32 @!p0 $0x80;
	[sflag:s26] =	ssyncset.done @!p0 $0x0  }
0x75: {  	s21 =	simm.s32 @!p0 $0x6DC0;
	[sflag:s26] =	ssyncadd.s32 @!p0 $0xFFFFFC00;
	s26 =	simm.s32 @!p0 $0x62C0  }
0x76: {  	[spmem:s3] =	stream.indirect.scatter.add.f32 @!p0 [tilespmem:s21], [sflag:$0xE], $0x8, s26, s18, $0xb8;
	[tilespmem:$0x75C0] =	vst v63  }
0x77: {  	_ =	swait.ge @!p0 [sflag:s28], $0x400  }
0x78: {  	[sflag:s28] =	ssyncset.done @!p0 $0x0  }
0x79: {  	s21 =	simm.s32 @!p0 $0x1;
	[sflag:s28] =	ssyncadd.s32 @!p0 $0xFFFFFC00  }
0x7a: {  	_ =	swait.ge @!p0 [sflag:s21], $0x80  }
0x7b: {  	[sflag:s21] =	ssyncset.done @!p0 $0x0  }
0x7c: {  	s28 =	simm.s32 @!p0 $0x5;
	[sflag:s21] =	ssyncadd.s32 @!p0 $0xFFFFFF80  }
0x7d: {  	_ =	swait.ge @!p0 [sflag:s28], $0x80  }
0x7e: {  	s20 =	simm.s32 @!p0 $0x63C0;
	[sflag:s28] =	ssyncset.done @!p0 $0x0  }
0x7f: {  	s21 =	simm.s32 @!p0 $0x65C0;
	[sflag:s28] =	ssyncadd.s32 @!p0 $0xFFFFFF80;
	s28 =	rddreg [dreg:$0x4]  }
0x80: {  	[tilespmem:s21], [sflag:$0x9] =	stream.indirect.gather @!p0 [hbm4b:s2+s18], $0x8, s20, s18, $0xb8;
	[tilespmem:$0x75C0] =	vst v63  }
0x81: {  	s18 =	rddreg [dreg:$0x3];
	s21 =	sadd.s32 @!p0 $0x0, s28  }
0x82: {  	[tilespmem:s26], [sflag:$0x3] =	stream.linear.gather @!p0 [hbm4b:s21+s9], $0x80, $0x38;
	[tilespmem:$0x75C0] =	vst v63  }
0x83: {  	s18 =	sadd.s32 @!p0 $0x0, s18;
	s21 =	simm.s32 @!p0 $0x64C0  }
0x84: {  	[tilespmem:s21], [sflag:$0x7] =	stream.linear.gather @!p0 [hbm4b:s18+s9], $0x80, $0x38;
	[tilespmem:$0x75C0] =	vst v63  }
0x85: {  	_ =	swait.ge [sflag:s17], $0x400  }
0x86: {  	[sflag:s17] =	ssyncset.done $0x0  }
0x87: {  	[sflag:s17] =	ssyncadd.s32 $0xFFFFFC00  }
0x88: {  	[spmem:s3] =	stream.indirect.scatter.add.f32 [tilespmem:s16], [sflag:$0xD], $0x8, s24, s29, $0xb8;
	[tilespmem:$0x75C0] =	vst v63  }
0x89: {  	_ =	swait.ge [sflag:s19], $0x400  }
0x8a: {  	s28 =	simm.s32 $0x40;
	s18 =	rddreg [dreg:$0x15]  }
.LBB2_2:
0x8b: {  	[sflag:s19] =	ssyncset.done $0x0  }
0x8c: {  	[sflag:s19] =	ssyncadd.s32 $0xFFFFFC00  }
0x8d: {  	_ =	swait.ge [sflag:s31], $0x80  }
0x8e: {  	[sflag:s31] =	ssyncset.done $0x0  }
0x8f: {  	[sflag:s31] =	ssyncadd.s32 $0xFFFFFF80  }
0x90: {  	_ =	swait.ge [sflag:s0], $0x80  }
0x91: {  	[sflag:s0] =	ssyncset.done $0x0  }
0x92: {  	s9 =	smov.u32 s28;
	s21 =	rddreg [dreg:$0x8];
	[sflag:s0] =	ssyncadd.s32 $0xFFFFFF80  }
0x93: {  	[tilespmem:s1], [sflag:$0xA] =	stream.indirect.gather [hbm4b:s2+s29], $0x8, s23, s29, $0xb8;
	[tilespmem:$0x75C0] =	vst v63  }
0x94: {  	s26 =	rddreg [dreg:$0x7];
	s21 =	sadd.s32 s9, s21  }
0x95: {  	[tilespmem:s24], [sflag:$0x4] =	stream.linear.gather [hbm4b:s21+s4], $0x80, $0x38;
	[tilespmem:$0x75C0] =	vst v63  }
0x96: {  	s20 =	sadd.s32 s9, s26  }
0x97: {  	[tilespmem:s7], [sflag:$0x8] =	stream.linear.gather [hbm4b:s20+s4], $0x80, $0x38;
	[tilespmem:$0x75C0] =	vst v63  }
0x98: {  	_ =	swait.ge [sflag:s8], $0x400  }
0x99: {  	[sflag:s8] =	ssyncset.done $0x0  }
0x9a: {  	s20 =	simm.s32 $0x65C0;
	[sflag:s8] =	ssyncadd.s32 $0xFFFFFC00  }
0x9b: {  	[spmem:s3] =	stream.indirect.scatter.add.f32 [tilespmem:s20], [sflag:$0xE], $0x8, s22, s29, $0xb8;
	[tilespmem:$0x75C0] =	vst v63  }
0x9c: {  	_ =	swait.ge [sflag:s10], $0x400  }
0x9d: {  	[sflag:s10] =	ssyncset.done $0x0  }
0x9e: {  	[sflag:s10] =	ssyncadd.s32 $0xFFFFFC00  }
0x9f: {  	_ =	swait.ge [sflag:s11], $0x80  }
0xa0: {  	[sflag:s11] =	ssyncset.done $0x0  }
0xa1: {  	[sflag:s11] =	ssyncadd.s32 $0xFFFFFF80  }
0xa2: {  	_ =	swait.ge [sflag:s12], $0x80  }
0xa3: {  	s18 =	sadd.s32 $0x200, s18;
	p1 =	seq.s32 s9, $0x900;
	[sflag:s12] =	ssyncset.done $0x0  }
0xa4: {  	s20 =	sshrl.u32 @!p1 s18, $0x3;
	s23 =	rddreg [dreg:$0x9];
	[sflag:s12] =	ssyncadd.s32 $0xFFFFFF80  }
0xa5: {  	[tilespmem:s23], [sflag:$0xB] =	stream.indirect.gather [hbm4b:s2+s29], $0x8, s30, s29, $0xb8;
	[tilespmem:$0x75C0] =	vst v63  }
0xa6: {  	s26 =	simm.s32 @!p1 $0x0;
	s22 =	simm.s32 @!p1 $0x61C0;
	s23 =	sadd.s32 @!p1 s5, s20  }
0xa7: {  	[tilespmem:s22], [sflag:$0x1] =	stream.linear.gather @!p1 [hbm4b:s23+s26], $0x80, $0x38;
	[tilespmem:$0x75C0] =	vst v63  }
0xa8: {  	s21 =	simm.s32 @!p1 $0x63C0;
	s20 =	sadd.s32 @!p1 s6, s20  }
0xa9: {  	[tilespmem:s21], [sflag:$0x5] =	stream.linear.gather @!p1 [hbm4b:s20+s26], $0x80, $0x38;
	[tilespmem:$0x75C0] =	vst v63  }
0xaa: {  	_ =	swait.ge [sflag:s13], $0x400  }
0xab: {  	[sflag:s13] =	ssyncset.done $0x0  }
0xac: {  	[sflag:s13] =	ssyncadd.s32 $0xFFFFFC00  }
0xad: {  	[spmem:s3] =	stream.indirect.scatter.add.f32 [tilespmem:s1], [sflag:$0xE], $0x8, s25, s29, $0xb8;
	[tilespmem:$0x75C0] =	vst v63  }
0xae: {  	_ =	swait.ge [sflag:s10], $0x400  }
0xaf: {  	[sflag:s10] =	ssyncset.done $0x0  }
0xb0: {  	[sflag:s10] =	ssyncadd.s32 $0xFFFFFC00  }
0xb1: {  	_ =	swait.ge [sflag:s14], $0x80  }
0xb2: {  	[sflag:s14] =	ssyncset.done $0x0  }
0xb3: {  	[sflag:s14] =	ssyncadd.s32 $0xFFFFFF80  }
0xb4: {  	_ =	swait.ge [sflag:s15], $0x80  }
0xb5: {  	[sflag:s15] =	ssyncset.done $0x0  }
0xb6: {  	s20 =	simm.s32 @p1 $0xB;
	[sflag:s15] =	ssyncadd.s32 $0xFFFFFF80  }
0xb7: {  	[tilespmem:s16], [sflag:$0xC] =	stream.indirect.gather [hbm4b:s2+s29], $0x8, s7, s29, $0xb8;
	[tilespmem:$0x75C0] =	vst v63  }
0xb8: {  	_ =	swait.ge @p1 [sflag:s20], $0x400  }
0xb9: {  	s22 =	simm.s32 @p1 $0x6DC0;
	s23 =	simm.s32 @p1 $0x80;
	[sflag:s20] =	ssyncset.done @p1 $0x0  }
0xba: {  	s25 =	simm.s32 @p1 $0x62C0;
	[sflag:s20] =	ssyncadd.s32 @p1 $0xFFFFFC00;
	s20 =	simm.s32 @p1 $0xE  }
0xbb: {  	[spmem:s3] =	stream.indirect.scatter.add.f32 @p1 [tilespmem:s22], [sflag:$0xE], $0x8, s25, s23, $0xb8;
	[tilespmem:$0x75C0] =	vst v63  }
0xbc: {  	_ =	swait.ge @p1 [sflag:s20], $0x400  }
0xbd: {  	s22 =	rddreg [dreg:$0x6]  }
0xbe: {  	[sflag:s20] =	ssyncset.done @p1 $0x0;
	s23 =	rddreg [dreg:$0x5]  }
0xbf: {  	[sflag:s20] =	ssyncadd.s32 @p1 $0xFFFFFC00;
	s20 =	sadd.s32 @!p1 s9, s22;
	s22 =	simm.s32 @!p1 $0x6240  }
0xc0: {  	[tilespmem:s22], [sflag:$0x2] =	stream.linear.gather @!p1 [hbm4b:s20+s26], $0x80, $0x38;
	[tilespmem:$0x75C0] =	vst v63  }
0xc1: {  	s25 =	simm.s32 @!p1 $0x6440;
	s20 =	sadd.s32 @!p1 s9, s23;
	s22 =	simm.s32 @!p1 $0xB  }
0xc2: {  	[tilespmem:s25], [sflag:$0x6] =	stream.linear.gather @!p1 [hbm4b:s20+s26], $0x80, $0x38;
	[tilespmem:$0x75C0] =	vst v63  }
0xc3: {  	_ =	swait.ge @!p1 [sflag:s22], $0x400  }
0xc4: {  	s23 =	simm.s32 @!p1 $0x6DC0;
	s20 =	simm.s32 @!p1 $0x80;
	[sflag:s22] =	ssyncset.done @!p1 $0x0  }
0xc5: {  	s25 =	simm.s32 @!p1 $0xE;
	[sflag:s22] =	ssyncadd.s32 @!p1 $0xFFFFFC00;
	s22 =	simm.s32 @!p1 $0x62C0  }
0xc6: {  	[spmem:s3] =	stream.indirect.scatter.add.f32 @!p1 [tilespmem:s23], [sflag:$0xE], $0x8, s22, s20, $0xb8;
	[tilespmem:$0x75C0] =	vst v63  }
0xc7: {  	_ =	swait.ge @!p1 [sflag:s25], $0x400  }
0xc8: {  	[sflag:s25] =	ssyncset.done @!p1 $0x0  }
0xc9: {  	s23 =	simm.s32 @!p1 $0x1;
	[sflag:s25] =	ssyncadd.s32 @!p1 $0xFFFFFC00  }
0xca: {  	_ =	swait.ge @!p1 [sflag:s23], $0x80  }
0xcb: {  	[sflag:s23] =	ssyncset.done @!p1 $0x0  }
0xcc: {  	s25 =	simm.s32 @!p1 $0x5;
	[sflag:s23] =	ssyncadd.s32 @!p1 $0xFFFFFF80  }
0xcd: {  	_ =	swait.ge @!p1 [sflag:s25], $0x80  }
0xce: {  	[sflag:s25] =	ssyncset.done @!p1 $0x0  }
0xcf: {  	s23 =	simm.s32 @!p1 $0x65C0;
	s30 =	rddreg [dreg:$0x4];
	[sflag:s25] =	ssyncadd.s32 @!p1 $0xFFFFFF80  }
0xd0: {  	[tilespmem:s23], [sflag:$0x9] =	stream.indirect.gather @!p1 [hbm4b:s2+s20], $0x8, s21, s20, $0xb8;
	[tilespmem:$0x75C0] =	vst v63  }
0xd1: {  	s28 =	sadd.s32 $0x40, s28;
	s25 =	rddreg [dreg:$0x3];
	s20 =	sadd.s32 @!p1 s9, s30  }
0xd2: {  	[tilespmem:s22], [sflag:$0x3] =	stream.linear.gather @!p1 [hbm4b:s20+s26], $0x80, $0x38;
	[tilespmem:$0x75C0] =	vst v63  }
0xd3: {  	p0 =	sne.s32 s28, $0x940;
	s21 =	simm.s32 @!p1 $0x64C0;
	s9 =	sadd.s32 @!p1 s9, s25  }
0xd4: {  	[tilespmem:s21], [sflag:$0x7] =	stream.linear.gather @!p1 [hbm4b:s9+s26], $0x80, $0x38;
	[tilespmem:$0x75C0] =	vst v63  }
.Ltmp0:
0xd5: {  	_ =	swait.ge [sflag:s17], $0x400;
	(pc) =	sbr.rel @p0 .LBB2_2-.Ltmp0, $4  }
0xd6: {  	[sflag:s17] =	ssyncset.done $0x0  }
0xd7: {  	s23 =	simm.s32 $0x6440;
	s30 =	simm.s32 $0x64C0;
	[sflag:s17] =	ssyncadd.s32 $0xFFFFFC00  }
0xd8: {  	[spmem:s3] =	stream.indirect.scatter.add.f32 [tilespmem:s16], [sflag:$0xD], $0x8, s24, s29, $0xb8;
	[tilespmem:$0x75C0] =	vst v63  }
0xd9: {  	s25 =	simm.s32 $0x6240;
	s22 =	simm.s32 $0x61C0;
	_ =	swait.ge [sflag:s19], $0x400  }
0xda: {  	[sflag:s19] =	ssyncset.done $0x0  }
0xdb: {  	[sflag:s19] =	ssyncadd.s32 $0xFFFFFC00  }
0xdc: {  	[bflag:$0x0] =	sbarrier.arrive $0xFFFF  }
0xdd: {  	s18 =	rddreg [dreg:$0xc]  }
0xde: {  	s9 =	rddreg [dreg:$0x13]  }
0xdf: {  	s20 =	rddreg [dreg:$0x17]  }
0xe0: {  	[hbm:s9], [sflag:s18] =	dma.local [spmem:s20], $0xC38  }
0xe1: {  	_ =	swait.ge [sflag:s19], $0xC38  }
0xe2: {  	s26 =	rddreg [dreg:$0x16]  }
0xe3: {  	s28 =	rddreg [dreg:$0x14];
	s20 =	sadd.s32 $0x1, s26  }
0xe4: {  	p0 =	sne.s32 s20, s28  }
.Ltmp1:
0xe5: {  	_ = 	snop;
	(pc) =	sbr.rel @p0 .LBB2_1-.Ltmp1, $3  }
0xe6: {  	_ =	sdelay $0x1  }
0xe7: {  	[sflag:s19] =	ssyncset.done $0x0  }
0xe8: {  	s21 =	simm.s32 $0x65C0;
	[sflag:s19] =	ssyncadd.s32 $0xFFFFF3C8  }
0xe9: {  	_ =	sfence.sel $0x180000  }
0xea: {  	[bflag:$0x0] =	sbarrier.arrive $0xFFFF  }
0xeb: {  	_ =	strace $0x90000047  }
0xec: {  	s0 =	stileid.u32;
	[bflag:$0x2] =	sbarrier.arrive $0xFFFF  }
0xed: {  	p0 =	sne.s32 s0, $0x0;
	s0 =	rddreg [dreg:$0x2]  }
0xee: {  	s0 =	sadd.s32 @!p0 $0x100000, s0  }
0xef: {  	[sflag:s0] =	ssyncadd.tile.s32 @!p0 $0x1;
	_ =	shalt  }
.Lfunc_end2:
_tile_overlayer_lowered:
.L_overlay_start_2:
0xf0: {  	(tag) =	ssettag $0x2  }
0xf1: {  	s0 =	rddreg [dreg:$0x0];
	s2 =	stileid.u32  }
0xf2: {  	s1 =	rddreg [dreg:$0x1];
	p0 =	sne.s32 s2, $0x0  }
0xf3: {  	s3 =	rddreg [dreg:$0x2];
	[bflag:$0x3] =	sbarrier.arrive $0xFFFF;
	s2 =	simm.s32 @!p0 $0x1C0D  }
0xf4: {  	[timem:s3], [sflag:s2] =	dma.local @!p0 [hbm:s0], s1  }
0xf5: {  	s0 =	simm.s32 @!p0 $0xD  }
0xf6: {  	_ =	swait.ge @!p0 [sflag:s0], s1  }
0xf7: {  	s1 =	ssub.s32 @!p0 $0x0, s1;
	[sflag:s0] =	ssyncset.done @!p0 $0x0  }
0xf8: {  	[sflag:s0] =	ssyncadd.s32 @!p0 s1  }
0xf9: {  	[bflag:$0x3] =	sbarrier.arrive $0xFFFF  }
0xfa: {  	_ =	shalt  }

</sc_bundles>
